<compile_context>
chip_gen: v7x
topology: tpu7x:2x2x1
jax: 0.10.2.dev20260603
libtpu: 0.0.44.dev20260713+nightly
codegen_flags: <defaults>
</compile_context>

<pallas_src>
import jax
import jax.numpy as jnp
from jax import lax
from jax.experimental import pallas as pl
from jax.experimental.pallas import tpu as pltpu
from jax.experimental.pallas import tpu_sc as plsc

D_MODEL = 64
SCALE = 8.0

NC = 2
NS = 16
NW = NC * NS

BB = 128
LANES = 16
NGB = 2
NTB = 2


def _body(xt_hbm, t128_hbm, out_hbm, idx_v, r0, r1, t0, t1,
          g0, g1, o0, o1):
    seq = xt_hbm.shape[0]
    wid = lax.axis_index("s") * NC + lax.axis_index("c")
    bcol = pl.multiple_of(wid * BB, BB)

    pltpu.sync_copy(xt_hbm.at[:, pl.ds(bcol, BB)], idx_v)

    rows = (r0, r1)
    trs = (t0, t1)
    gsems = (g0, g1)
    osems = (o0, o1)

    def gather_copy(s, k):
        return pltpu.make_async_copy(
            t128_hbm.at[idx_v.at[s]], rows[k].at[:, pl.ds(0, 128)], gsems[k])

    def out_copy(s, k):
        return pltpu.make_async_copy(
            trs[k], out_hbm.at[s, :, pl.ds(bcol, BB)], osems[k])

    iota = lax.iota(jnp.int32, LANES)
    fidx = [iota + j * LANES for j in range(D_MODEL // LANES)]

    zeros16 = jnp.full((LANES,), 0, jnp.int32)
    ones16 = jnp.full((LANES,), 1, jnp.int32)

    toks = [iota + g * LANES for g in range(BB // LANES)]

    def transpose_scale(rbuf, tbuf):
        @plsc.parallel_loop(0, D_MODEL, 1, unroll=8, carry=zeros16)
        def tcol(f, fvec):
            for g in range(BB // LANES):
                vals = plsc.load_gather(rbuf, [toks[g], fvec])
                tbuf[f, pl.ds(g * LANES, LANES)] = vals * SCALE
            return fvec + ones16

    for k in range(NGB):
        gather_copy(k, k).start()

    def step(su, carry):
        for par in range(NGB):
            s = NGB * su + par
            gather_copy(s, par).wait()

            @pl.when(s >= NTB)
            def _():
                out_copy(s - NTB, par % NTB).wait()

            transpose_scale(rows[par], trs[par % NTB])

            @pl.when(s + NGB < seq)
            def _():
                gather_copy(s + NGB, par).start()

            out_copy(s, par % NTB).start()
        return carry

    lax.fori_loop(0, seq // NGB, step, 0)
    out_copy(seq - 2, 0).wait()
    out_copy(seq - 1, 1).wait()


def kernel(x, table):
    b_total, seq = x.shape
    xt = x.T.astype(jnp.int32)
    t128 = jnp.pad(table, ((0, 0), (0, 64)))
    mesh = plsc.VectorSubcoreMesh(core_axis_name="c", subcore_axis_name="s")
    out_phys = pl.kernel(
        _body,
        mesh=mesh,
        compiler_params=pltpu.CompilerParams(
            use_tc_tiling_on_sc=True, needs_layout_passes=False,
            disable_bounds_checks=True),
        out_type=jax.ShapeDtypeStruct((seq, D_MODEL, b_total), jnp.float32),
        scratch_types=[
            pltpu.VMEM((seq, BB), jnp.int32),
            pltpu.VMEM((BB, 136), jnp.float32),
            pltpu.VMEM((BB, 136), jnp.float32),
            pltpu.VMEM((D_MODEL, BB), jnp.float32),
            pltpu.VMEM((D_MODEL, BB), jnp.float32),
            pltpu.SemaphoreType.DMA,
            pltpu.SemaphoreType.DMA,
            pltpu.SemaphoreType.DMA,
            pltpu.SemaphoreType.DMA,
        ],
    )(xt, t128)
    return out_phys.transpose(2, 0, 1)

# --- scband reference (transcript-rebuilt; emitter-appended) ---
"""Pipeline reference for scband-embeddings-44616120271116 (READ-ONLY COPY).

The authoritative reference and input builder live on the scoring server;
editing this copy changes nothing except your own understanding.
"""

import jax, jax.numpy as jnp
import numpy as np

D_MODEL = 64
VOCAB = 1000000

def setup_inputs(seed: int = 0) -> dict:
    key = jax.random.key(seed)
    k1, k2 = jax.random.split(key)
    x = jax.random.randint(k1, (4096, 200), 0, VOCAB, dtype=jnp.int64 if jax.config.jax_enable_x64 else jnp.int32)
    table = jax.random.normal(k2, (VOCAB, D_MODEL), dtype=jnp.float32)
    return {"x": x, "table": table}

def reference(x, table):
    # Embeddings.forward: self.lut(x) * math.sqrt(self.d_model)
    emb = jnp.take(table, x, axis=0)
    return emb * jnp.sqrt(jnp.float32(D_MODEL))

if __name__ == "__main__":
    import jax
    _d = setup_inputs()
    print(jax.jit(kernel)(*tuple(_d.values())))

</pallas_src>

<mosaic_0001>
#map = affine_map<(d0, d1) -> (0, 0)>
#map1 = affine_map<(d0, d1) -> (0, 0, 0)>
module attributes {stable_mosaic.version = 14 : i64} {
  func.func @_body(%arg0: i32, %arg1: i32, %arg2: memref<200x4096xi32, #tpu.memory_space<hbm>>, %arg3: memref<1000000x128xf32, #tpu.memory_space<hbm>>, %arg4: memref<200x64x4096xf32, #tpu.memory_space<hbm>>, %arg5: memref<200x128xi32, #tpu.memory_space<vmem>>, %arg6: memref<128x136xf32, #tpu.memory_space<vmem>>, %arg7: memref<128x136xf32, #tpu.memory_space<vmem>>, %arg8: memref<64x128xf32, #tpu.memory_space<vmem>>, %arg9: memref<64x128xf32, #tpu.memory_space<vmem>>, %arg10: memref<!tpu.dma_semaphore, #tpu.memory_space<semaphore_mem>>, %arg11: memref<!tpu.dma_semaphore, #tpu.memory_space<semaphore_mem>>, %arg12: memref<!tpu.dma_semaphore, #tpu.memory_space<semaphore_mem>>, %arg13: memref<!tpu.dma_semaphore, #tpu.memory_space<semaphore_mem>>) attributes {dimension_semantics = [#tpu.dimension_semantics<core_parallel>, #tpu.dimension_semantics<subcore_parallel>], iteration_bounds = array<i64: 2, 16>, scalar_prefetch = 0 : i64, scratch_operands = 9 : i64, tpu.core_type = #tpu.core_type<sc_vector_subcore>, window_params = [{transform_indices = #map}, {transform_indices = #map}, {transform_indices = #map1}]} {
    %mul3A = arith.constant 2 : i32
    %mul3A_0 = arith.muli %arg1, %mul3A : i32
    %add3A = arith.addi %mul3A_0, %arg0 : i32
    %mul3A_1 = arith.constant 128 : i32
    %mul3A_2 = arith.muli %add3A, %mul3A_1 : i32
    %multiple_of3A = tpu.assume_multiple %mul3A_2, 128 : i32
    "tpu.region"() ({
      %run_scoped3A = tpu.sem_alloc : memref<!tpu.dma_semaphore, #tpu.memory_space<semaphore_mem>>
      %dma_start3A_79 = arith.constant 0 : i32
      %dma_start3A_80 = tpu.memref_slice %arg2[%dma_start3A_79, %multiple_of3A] : memref<200x4096xi32, #tpu.memory_space<hbm>> -> memref<200x128xi32, #tpu.memory_space<hbm>>
      %dma_start3A_81 = arith.constant 0 : i32
      %dma_start3A_82 = tpu.memref_slice %arg2[%dma_start3A_81, %multiple_of3A] : memref<200x4096xi32, #tpu.memory_space<hbm>> -> memref<200x128xi32, #tpu.memory_space<hbm>>
      tpu.enqueue_dma source(%dma_start3A_82 : memref<200x128xi32, #tpu.memory_space<hbm>>) target(%arg5 : memref<200x128xi32, #tpu.memory_space<vmem>>) target_semaphore(%run_scoped3A : memref<!tpu.dma_semaphore, #tpu.memory_space<semaphore_mem>>)
      %dma_wait3A_83 = arith.constant 0 : i32
      %dma_wait3A_84 = tpu.memref_slice %arg2[%dma_wait3A_83, %multiple_of3A] : memref<200x4096xi32, #tpu.memory_space<hbm>> -> memref<200x128xi32, #tpu.memory_space<hbm>>
      %dma_wait3A_85 = arith.constant 0 : i32
      %dma_wait3A_86 = tpu.memref_slice %arg2[%dma_wait3A_85, %multiple_of3A] : memref<200x4096xi32, #tpu.memory_space<hbm>> -> memref<200x128xi32, #tpu.memory_space<hbm>>
      tpu.wait_dma2 semaphore(%run_scoped3A : memref<!tpu.dma_semaphore, #tpu.memory_space<semaphore_mem>>) src(%dma_wait3A_86 : memref<200x128xi32, #tpu.memory_space<hbm>>) dst(%arg5 : memref<200x128xi32, #tpu.memory_space<vmem>>)
      tpu.yield
    }) : () -> ()
    %iota3A = tpu.iota {dimensions = array<i32: 0>} : vector<16xi32>
    %add3A_3 = arith.constant 0 : i32
    %add3A_4 = vector.broadcast %add3A_3 : i32 to vector<16xi32>
    %add3A_5 = arith.addi %iota3A, %add3A_4 : vector<16xi32>
    %add3A_6 = arith.constant 16 : i32
    %add3A_7 = vector.broadcast %add3A_6 : i32 to vector<16xi32>
    %add3A_8 = arith.addi %iota3A, %add3A_7 : vector<16xi32>
    %add3A_9 = arith.constant 32 : i32
    %add3A_10 = vector.broadcast %add3A_9 : i32 to vector<16xi32>
    %add3A_11 = arith.addi %iota3A, %add3A_10 : vector<16xi32>
    %add3A_12 = arith.constant 48 : i32
    %add3A_13 = vector.broadcast %add3A_12 : i32 to vector<16xi32>
    %add3A_14 = arith.addi %iota3A, %add3A_13 : vector<16xi32>
    %broadcast_in_dim3A = arith.constant 0 : i32
    %broadcast_in_dim3A_15 = vector.broadcast %broadcast_in_dim3A : i32 to vector<16xi32>
    %broadcast_in_dim3A_16 = arith.constant 1 : i32
    %broadcast_in_dim3A_17 = vector.broadcast %broadcast_in_dim3A_16 : i32 to vector<16xi32>
    %add3A_18 = arith.constant 0 : i32
    %add3A_19 = vector.broadcast %add3A_18 : i32 to vector<16xi32>
    %add3A_20 = arith.addi %iota3A, %add3A_19 : vector<16xi32>
    %add3A_21 = arith.constant 16 : i32
    %add3A_22 = vector.broadcast %add3A_21 : i32 to vector<16xi32>
    %add3A_23 = arith.addi %iota3A, %add3A_22 : vector<16xi32>
    %add3A_24 = arith.constant 32 : i32
    %add3A_25 = vector.broadcast %add3A_24 : i32 to vector<16xi32>
    %add3A_26 = arith.addi %iota3A, %add3A_25 : vector<16xi32>
    %add3A_27 = arith.constant 48 : i32
    %add3A_28 = vector.broadcast %add3A_27 : i32 to vector<16xi32>
    %add3A_29 = arith.addi %iota3A, %add3A_28 : vector<16xi32>
    %add3A_30 = arith.constant 64 : i32
    %add3A_31 = vector.broadcast %add3A_30 : i32 to vector<16xi32>
    %add3A_32 = arith.addi %iota3A, %add3A_31 : vector<16xi32>
    %add3A_33 = arith.constant 80 : i32
    %add3A_34 = vector.broadcast %add3A_33 : i32 to vector<16xi32>
    %add3A_35 = arith.addi %iota3A, %add3A_34 : vector<16xi32>
    %add3A_36 = arith.constant 96 : i32
    %add3A_37 = vector.broadcast %add3A_36 : i32 to vector<16xi32>
    %add3A_38 = arith.addi %iota3A, %add3A_37 : vector<16xi32>
    %add3A_39 = arith.constant 112 : i32
    %add3A_40 = vector.broadcast %add3A_39 : i32 to vector<16xi32>
    %add3A_41 = arith.addi %iota3A, %add3A_40 : vector<16xi32>
    %dma_start3A = arith.constant 0 : i32
    %dma_start3A_42 = arith.constant 0 : i32
    %dma_start3A_43 = arith.constant 0 : i32
    %dma_start3A_44 = tpu.memref_slice %arg6[%dma_start3A_42, %dma_start3A_43] : memref<128x136xf32, #tpu.memory_space<vmem>> -> memref<128x128xf32, #tpu.memory_space<vmem>>
    %dma_start3A_45 = arith.constant 0 : i32
    %dma_start3A_46 = tpu.memref_slice %arg5[%dma_start3A, %dma_start3A_45] : memref<200x128xi32, #tpu.memory_space<vmem>> -> memref<1x128xi32, #tpu.memory_space<vmem>>
    %dma_start3A_47 = tpu.memref_squeeze %dma_start3A_46 : memref<1x128xi32, #tpu.memory_space<vmem>> -> memref<128xi32, #tpu.memory_space<vmem>>
    %dma_start3A_48 = arith.constant 0 : i32
    %dma_start3A_49 = arith.constant 0 : i32
    %dma_start3A_50 = tpu.memref_slice %arg3[%dma_start3A_48, %dma_start3A_49] : memref<1000000x128xf32, #tpu.memory_space<hbm>> -> memref<1000000x128xf32, #tpu.memory_space<hbm>>
    tpu.enqueue_indirect_dma source(%dma_start3A_50 : memref<1000000x128xf32, #tpu.memory_space<hbm>>) target(%dma_start3A_44 : memref<128x128xf32, #tpu.memory_space<vmem>>) offsets(%dma_start3A_47 : memref<128xi32, #tpu.memory_space<vmem>>) semaphore(%arg10 : memref<!tpu.dma_semaphore, #tpu.memory_space<semaphore_mem>>)
    %dma_start3A_51 = arith.constant 1 : i32
    %dma_start3A_52 = arith.constant 0 : i32
    %dma_start3A_53 = arith.constant 0 : i32
    %dma_start3A_54 = tpu.memref_slice %arg7[%dma_start3A_52, %dma_start3A_53] : memref<128x136xf32, #tpu.memory_space<vmem>> -> memref<128x128xf32, #tpu.memory_space<vmem>>
    %dma_start3A_55 = arith.constant 0 : i32
    %dma_start3A_56 = tpu.memref_slice %arg5[%dma_start3A_51, %dma_start3A_55] : memref<200x128xi32, #tpu.memory_space<vmem>> -> memref<1x128xi32, #tpu.memory_space<vmem>>
    %dma_start3A_57 = tpu.memref_squeeze %dma_start3A_56 : memref<1x128xi32, #tpu.memory_space<vmem>> -> memref<128xi32, #tpu.memory_space<vmem>>
    %dma_start3A_58 = arith.constant 0 : i32
    %dma_start3A_59 = arith.constant 0 : i32
    %dma_start3A_60 = tpu.memref_slice %arg3[%dma_start3A_58, %dma_start3A_59] : memref<1000000x128xf32, #tpu.memory_space<hbm>> -> memref<1000000x128xf32, #tpu.memory_space<hbm>>
    tpu.enqueue_indirect_dma source(%dma_start3A_60 : memref<1000000x128xf32, #tpu.memory_space<hbm>>) target(%dma_start3A_54 : memref<128x128xf32, #tpu.memory_space<vmem>>) offsets(%dma_start3A_57 : memref<128xi32, #tpu.memory_space<vmem>>) semaphore(%arg11 : memref<!tpu.dma_semaphore, #tpu.memory_space<semaphore_mem>>)
    %scan3A = arith.constant 0 : i32
    %scan3A_61 = arith.constant 0 : i32
    %scan3A_62 = arith.constant 100 : i32
    %scan3A_63 = arith.addi %scan3A_61, %scan3A_62 : i32
    %scan3A_64 = arith.constant 1 : i32
    scf.for %scan3A_79 = %scan3A_61 to %scan3A_63 step %scan3A_64  : i32 {
      %mul3A_80 = arith.constant 2 : i32
      %mul3A_81 = arith.muli %mul3A_80, %scan3A_79 : i32
      %add3A_82 = arith.constant 0 : i32
      %add3A_83 = arith.addi %mul3A_81, %add3A_82 : i32
      %dma_wait3A_84 = arith.constant 0 : i32
      %dma_wait3A_85 = arith.constant 0 : i32
      %dma_wait3A_86 = tpu.memref_slice %arg6[%dma_wait3A_84, %dma_wait3A_85] : memref<128x136xf32, #tpu.memory_space<vmem>> -> memref<128x128xf32, #tpu.memory_space<vmem>>
      %dma_wait3A_87 = arith.constant 0 : i32
      %dma_wait3A_88 = tpu.memref_slice %arg5[%add3A_83, %dma_wait3A_87] : memref<200x128xi32, #tpu.memory_space<vmem>> -> memref<1x128xi32, #tpu.memory_space<vmem>>
      %dma_wait3A_89 = tpu.memref_squeeze %dma_wait3A_88 : memref<1x128xi32, #tpu.memory_space<vmem>> -> memref<128xi32, #tpu.memory_space<vmem>>
      %dma_wait3A_90 = arith.constant 0 : i32
      %dma_wait3A_91 = arith.constant 0 : i32
      %dma_wait3A_92 = tpu.memref_slice %arg3[%dma_wait3A_90, %dma_wait3A_91] : memref<1000000x128xf32, #tpu.memory_space<hbm>> -> memref<1000000x128xf32, #tpu.memory_space<hbm>>
      tpu.wait_indirect_dma semaphore(%arg10 : memref<!tpu.dma_semaphore, #tpu.memory_space<semaphore_mem>>) src(%dma_wait3A_92 : memref<1000000x128xf32, #tpu.memory_space<hbm>>) dst(%dma_wait3A_86 : memref<128x128xf32, #tpu.memory_space<vmem>>)
      %ge3A = arith.constant 2 : i32
      %ge3A_93 = arith.cmpi sge, %add3A_83, %ge3A : i32
      %convert_element_type3A = arith.extui %ge3A_93 : i1 to i32
      %cond3A = arith.constant 0 : i32
      %cond3A_94 = arith.cmpi ne, %convert_element_type3A, %cond3A : i32
      scf.if %cond3A_94 {
        %sub3A = arith.constant 2 : i32
        %sub3A_145 = arith.subi %add3A_83, %sub3A : i32
        %dma_wait3A_146 = arith.constant 0 : i32
        %dma_wait3A_147 = tpu.memref_slice %arg4[%sub3A_145, %dma_wait3A_146, %multiple_of3A] : memref<200x64x4096xf32, #tpu.memory_space<hbm>> -> memref<1x64x128xf32, #tpu.memory_space<hbm>>
        %dma_wait3A_148 = tpu.memref_squeeze %dma_wait3A_147 : memref<1x64x128xf32, #tpu.memory_space<hbm>> -> memref<64x128xf32, #tpu.memory_space<hbm>>
        %dma_wait3A_149 = arith.constant 0 : i32
        %dma_wait3A_150 = tpu.memref_slice %arg4[%sub3A_145, %dma_wait3A_149, %multiple_of3A] : memref<200x64x4096xf32, #tpu.memory_space<hbm>> -> memref<1x64x128xf32, #tpu.memory_space<hbm>>
        %dma_wait3A_151 = tpu.memref_squeeze %dma_wait3A_150 : memref<1x64x128xf32, #tpu.memory_space<hbm>> -> memref<64x128xf32, #tpu.memory_space<hbm>>
        tpu.wait_dma2 semaphore(%arg12 : memref<!tpu.dma_semaphore, #tpu.memory_space<semaphore_mem>>) src(%arg8 : memref<64x128xf32, #tpu.memory_space<vmem>>) dst(%dma_wait3A_151 : memref<64x128xf32, #tpu.memory_space<hbm>>)
      } else {
      }
      %parallel_loop3A = arith.constant 0 : i32
      %parallel_loop3A_95 = arith.constant 64 : i32
      %parallel_loop3A_96 = arith.constant 1 : i32
      %parallel_loop3A_97 = scf.for %parallel_loop3A_145 = %parallel_loop3A to %parallel_loop3A_95 step %parallel_loop3A_96 iter_args(%parallel_loop3A_146 = %broadcast_in_dim3A_15) -> (vector<16xi32>)  : i32 {
        %parallel_loop3A_147 = tpu.vector_load_idx %arg6[%add3A_20, %parallel_loop3A_146] : memref<128x136xf32, #tpu.memory_space<vmem>>[vector<16xi32>, vector<16xi32>], vector<16xf32>,
        %parallel_loop3A_148 = arith.constant 8.000000e+00 : f32
        %parallel_loop3A_149 = vector.broadcast %parallel_loop3A_148 : f32 to vector<16xf32>
        %parallel_loop3A_150 = arith.mulf %parallel_loop3A_147, %parallel_loop3A_149 : vector<16xf32>
        %parallel_loop3A_151 = arith.index_cast %parallel_loop3A_145 : i32 to index
        %parallel_loop3A_152 = arith.constant 0 : index
        %parallel_loop3A_153 = tpu.vector_load %arg8[%parallel_loop3A_151, %parallel_loop3A_152] {strides = array<i32>} : memref<64x128xf32, #tpu.memory_space<vmem>>, vector<16xf32>,
        tpu.vector_store %arg8[%parallel_loop3A_151, %parallel_loop3A_152], %parallel_loop3A_150 {strides = array<i32>} : memref<64x128xf32, #tpu.memory_space<vmem>>, vector<16xf32>,
        %parallel_loop3A_154 = tpu.vector_load_idx %arg6[%add3A_23, %parallel_loop3A_146] : memref<128x136xf32, #tpu.memory_space<vmem>>[vector<16xi32>, vector<16xi32>], vector<16xf32>,
        %parallel_loop3A_155 = arith.constant 8.000000e+00 : f32
        %parallel_loop3A_156 = vector.broadcast %parallel_loop3A_155 : f32 to vector<16xf32>
        %parallel_loop3A_157 = arith.mulf %parallel_loop3A_154, %parallel_loop3A_156 : vector<16xf32>
        %parallel_loop3A_158 = arith.index_cast %parallel_loop3A_145 : i32 to index
        %parallel_loop3A_159 = arith.constant 16 : index
        %parallel_loop3A_160 = tpu.vector_load %arg8[%parallel_loop3A_158, %parallel_loop3A_159] {strides = array<i32>} : memref<64x128xf32, #tpu.memory_space<vmem>>, vector<16xf32>,
        tpu.vector_store %arg8[%parallel_loop3A_158, %parallel_loop3A_159], %parallel_loop3A_157 {strides = array<i32>} : memref<64x128xf32, #tpu.memory_space<vmem>>, vector<16xf32>,
        %parallel_loop3A_161 = tpu.vector_load_idx %arg6[%add3A_26, %parallel_loop3A_146] : memref<128x136xf32, #tpu.memory_space<vmem>>[vector<16xi32>, vector<16xi32>], vector<16xf32>,
        %parallel_loop3A_162 = arith.constant 8.000000e+00 : f32
        %parallel_loop3A_163 = vector.broadcast %parallel_loop3A_162 : f32 to vector<16xf32>
        %parallel_loop3A_164 = arith.mulf %parallel_loop3A_161, %parallel_loop3A_163 : vector<16xf32>
        %parallel_loop3A_165 = arith.index_cast %parallel_loop3A_145 : i32 to index
        %parallel_loop3A_166 = arith.constant 32 : index
        %parallel_loop3A_167 = tpu.vector_load %arg8[%parallel_loop3A_165, %parallel_loop3A_166] {strides = array<i32>} : memref<64x128xf32, #tpu.memory_space<vmem>>, vector<16xf32>,
        tpu.vector_store %arg8[%parallel_loop3A_165, %parallel_loop3A_166], %parallel_loop3A_164 {strides = array<i32>} : memref<64x128xf32, #tpu.memory_space<vmem>>, vector<16xf32>,
        %parallel_loop3A_168 = tpu.vector_load_idx %arg6[%add3A_29, %parallel_loop3A_146] : memref<128x136xf32, #tpu.memory_space<vmem>>[vector<16xi32>, vector<16xi32>], vector<16xf32>,
        %parallel_loop3A_169 = arith.constant 8.000000e+00 : f32
        %parallel_loop3A_170 = vector.broadcast %parallel_loop3A_169 : f32 to vector<16xf32>
        %parallel_loop3A_171 = arith.mulf %parallel_loop3A_168, %parallel_loop3A_170 : vector<16xf32>
        %parallel_loop3A_172 = arith.index_cast %parallel_loop3A_145 : i32 to index
        %parallel_loop3A_173 = arith.constant 48 : index
        %parallel_loop3A_174 = tpu.vector_load %arg8[%parallel_loop3A_172, %parallel_loop3A_173] {strides = array<i32>} : memref<64x128xf32, #tpu.memory_space<vmem>>, vector<16xf32>,
        tpu.vector_store %arg8[%parallel_loop3A_172, %parallel_loop3A_173], %parallel_loop3A_171 {strides = array<i32>} : memref<64x128xf32, #tpu.memory_space<vmem>>, vector<16xf32>,
        %parallel_loop3A_175 = tpu.vector_load_idx %arg6[%add3A_32, %parallel_loop3A_146] : memref<128x136xf32, #tpu.memory_space<vmem>>[vector<16xi32>, vector<16xi32>], vector<16xf32>,
        %parallel_loop3A_176 = arith.constant 8.000000e+00 : f32
        %parallel_loop3A_177 = vector.broadcast %parallel_loop3A_176 : f32 to vector<16xf32>
        %parallel_loop3A_178 = arith.mulf %parallel_loop3A_175, %parallel_loop3A_177 : vector<16xf32>
        %parallel_loop3A_179 = arith.index_cast %parallel_loop3A_145 : i32 to index
        %parallel_loop3A_180 = arith.constant 64 : index
        %parallel_loop3A_181 = tpu.vector_load %arg8[%parallel_loop3A_179, %parallel_loop3A_180] {strides = array<i32>} : memref<64x128xf32, #tpu.memory_space<vmem>>, vector<16xf32>,
        tpu.vector_store %arg8[%parallel_loop3A_179, %parallel_loop3A_180], %parallel_loop3A_178 {strides = array<i32>} : memref<64x128xf32, #tpu.memory_space<vmem>>, vector<16xf32>,
        %parallel_loop3A_182 = tpu.vector_load_idx %arg6[%add3A_35, %parallel_loop3A_146] : memref<128x136xf32, #tpu.memory_space<vmem>>[vector<16xi32>, vector<16xi32>], vector<16xf32>,
        %parallel_loop3A_183 = arith.constant 8.000000e+00 : f32
        %parallel_loop3A_184 = vector.broadcast %parallel_loop3A_183 : f32 to vector<16xf32>
        %parallel_loop3A_185 = arith.mulf %parallel_loop3A_182, %parallel_loop3A_184 : vector<16xf32>
        %parallel_loop3A_186 = arith.index_cast %parallel_loop3A_145 : i32 to index
        %parallel_loop3A_187 = arith.constant 80 : index
        %parallel_loop3A_188 = tpu.vector_load %arg8[%parallel_loop3A_186, %parallel_loop3A_187] {strides = array<i32>} : memref<64x128xf32, #tpu.memory_space<vmem>>, vector<16xf32>,
        tpu.vector_store %arg8[%parallel_loop3A_186, %parallel_loop3A_187], %parallel_loop3A_185 {strides = array<i32>} : memref<64x128xf32, #tpu.memory_space<vmem>>, vector<16xf32>,
        %parallel_loop3A_189 = tpu.vector_load_idx %arg6[%add3A_38, %parallel_loop3A_146] : memref<128x136xf32, #tpu.memory_space<vmem>>[vector<16xi32>, vector<16xi32>], vector<16xf32>,
        %parallel_loop3A_190 = arith.constant 8.000000e+00 : f32
        %parallel_loop3A_191 = vector.broadcast %parallel_loop3A_190 : f32 to vector<16xf32>
        %parallel_loop3A_192 = arith.mulf %parallel_loop3A_189, %parallel_loop3A_191 : vector<16xf32>
        %parallel_loop3A_193 = arith.index_cast %parallel_loop3A_145 : i32 to index
        %parallel_loop3A_194 = arith.constant 96 : index
        %parallel_loop3A_195 = tpu.vector_load %arg8[%parallel_loop3A_193, %parallel_loop3A_194] {strides = array<i32>} : memref<64x128xf32, #tpu.memory_space<vmem>>, vector<16xf32>,
        tpu.vector_store %arg8[%parallel_loop3A_193, %parallel_loop3A_194], %parallel_loop3A_192 {strides = array<i32>} : memref<64x128xf32, #tpu.memory_space<vmem>>, vector<16xf32>,
        %parallel_loop3A_196 = tpu.vector_load_idx %arg6[%add3A_41, %parallel_loop3A_146] : memref<128x136xf32, #tpu.memory_space<vmem>>[vector<16xi32>, vector<16xi32>], vector<16xf32>,
        %parallel_loop3A_197 = arith.constant 8.000000e+00 : f32
        %parallel_loop3A_198 = vector.broadcast %parallel_loop3A_197 : f32 to vector<16xf32>
        %parallel_loop3A_199 = arith.mulf %parallel_loop3A_196, %parallel_loop3A_198 : vector<16xf32>
        %parallel_loop3A_200 = arith.index_cast %parallel_loop3A_145 : i32 to index
        %parallel_loop3A_201 = arith.constant 112 : index
        %parallel_loop3A_202 = tpu.vector_load %arg8[%parallel_loop3A_200, %parallel_loop3A_201] {strides = array<i32>} : memref<64x128xf32, #tpu.memory_space<vmem>>, vector<16xf32>,
        tpu.vector_store %arg8[%parallel_loop3A_200, %parallel_loop3A_201], %parallel_loop3A_199 {strides = array<i32>} : memref<64x128xf32, #tpu.memory_space<vmem>>, vector<16xf32>,
        %parallel_loop3A_203 = arith.addi %parallel_loop3A_146, %broadcast_in_dim3A_17 : vector<16xi32>
        scf.yield %parallel_loop3A_203 : vector<16xi32>
      } {sc.loop_unroll_factor = 8 : i64, sc.parallel_access}
      %add3A_98 = arith.constant 2 : i32
      %add3A_99 = arith.addi %add3A_83, %add3A_98 : i32
      %lt3A = arith.constant 200 : i32
      %lt3A_100 = arith.cmpi slt, %add3A_99, %lt3A : i32
      %convert_element_type3A_101 = arith.extui %lt3A_100 : i1 to i32
      %cond3A_102 = arith.constant 0 : i32
      %cond3A_103 = arith.cmpi ne, %convert_element_type3A_101, %cond3A_102 : i32
      scf.if %cond3A_103 {
        %add3A_145 = arith.constant 2 : i32
        %add3A_146 = arith.addi %add3A_83, %add3A_145 : i32
        %dma_start3A_147 = arith.constant 0 : i32
        %dma_start3A_148 = arith.constant 0 : i32
        %dma_start3A_149 = tpu.memref_slice %arg6[%dma_start3A_147, %dma_start3A_148] : memref<128x136xf32, #tpu.memory_space<vmem>> -> memref<128x128xf32, #tpu.memory_space<vmem>>
        %dma_start3A_150 = arith.constant 0 : i32
        %dma_start3A_151 = tpu.memref_slice %arg5[%add3A_146, %dma_start3A_150] : memref<200x128xi32, #tpu.memory_space<vmem>> -> memref<1x128xi32, #tpu.memory_space<vmem>>
        %dma_start3A_152 = tpu.memref_squeeze %dma_start3A_151 : memref<1x128xi32, #tpu.memory_space<vmem>> -> memref<128xi32, #tpu.memory_space<vmem>>
        %dma_start3A_153 = arith.constant 0 : i32
        %dma_start3A_154 = arith.constant 0 : i32
        %dma_start3A_155 = tpu.memref_slice %arg3[%dma_start3A_153, %dma_start3A_154] : memref<1000000x128xf32, #tpu.memory_space<hbm>> -> memref<1000000x128xf32, #tpu.memory_space<hbm>>
        tpu.enqueue_indirect_dma source(%dma_start3A_155 : memref<1000000x128xf32, #tpu.memory_space<hbm>>) target(%dma_start3A_149 : memref<128x128xf32, #tpu.memory_space<vmem>>) offsets(%dma_start3A_152 : memref<128xi32, #tpu.memory_space<vmem>>) semaphore(%arg10 : memref<!tpu.dma_semaphore, #tpu.memory_space<semaphore_mem>>)
      } else {
      }
      %dma_start3A_104 = arith.constant 0 : i32
      %dma_start3A_105 = tpu.memref_slice %arg4[%add3A_83, %dma_start3A_104, %multiple_of3A] : memref<200x64x4096xf32, #tpu.memory_space<hbm>> -> memref<1x64x128xf32, #tpu.memory_space<hbm>>
      %dma_start3A_106 = tpu.memref_squeeze %dma_start3A_105 : memref<1x64x128xf32, #tpu.memory_space<hbm>> -> memref<64x128xf32, #tpu.memory_space<hbm>>
      %dma_start3A_107 = arith.constant 0 : i32
      %dma_start3A_108 = tpu.memref_slice %arg4[%add3A_83, %dma_start3A_107, %multiple_of3A] : memref<200x64x4096xf32, #tpu.memory_space<hbm>> -> memref<1x64x128xf32, #tpu.memory_space<hbm>>
      %dma_start3A_109 = tpu.memref_squeeze %dma_start3A_108 : memref<1x64x128xf32, #tpu.memory_space<hbm>> -> memref<64x128xf32, #tpu.memory_space<hbm>>
      tpu.enqueue_dma source(%arg8 : memref<64x128xf32, #tpu.memory_space<vmem>>) target(%dma_start3A_109 : memref<64x128xf32, #tpu.memory_space<hbm>>) target_semaphore(%arg12 : memref<!tpu.dma_semaphore, #tpu.memory_space<semaphore_mem>>)
      %mul3A_110 = arith.constant 2 : i32
      %mul3A_111 = arith.muli %mul3A_110, %scan3A_79 : i32
      %add3A_112 = arith.constant 1 : i32
      %add3A_113 = arith.addi %mul3A_111, %add3A_112 : i32
      %dma_wait3A_114 = arith.constant 0 : i32
      %dma_wait3A_115 = arith.constant 0 : i32
      %dma_wait3A_116 = tpu.memref_slice %arg7[%dma_wait3A_114, %dma_wait3A_115] : memref<128x136xf32, #tpu.memory_space<vmem>> -> memref<128x128xf32, #tpu.memory_space<vmem>>
      %dma_wait3A_117 = arith.constant 0 : i32
      %dma_wait3A_118 = tpu.memref_slice %arg5[%add3A_113, %dma_wait3A_117] : memref<200x128xi32, #tpu.memory_space<vmem>> -> memref<1x128xi32, #tpu.memory_space<vmem>>
      %dma_wait3A_119 = tpu.memref_squeeze %dma_wait3A_118 : memref<1x128xi32, #tpu.memory_space<vmem>> -> memref<128xi32, #tpu.memory_space<vmem>>
      %dma_wait3A_120 = arith.constant 0 : i32
      %dma_wait3A_121 = arith.constant 0 : i32
      %dma_wait3A_122 = tpu.memref_slice %arg3[%dma_wait3A_120, %dma_wait3A_121] : memref<1000000x128xf32, #tpu.memory_space<hbm>> -> memref<1000000x128xf32, #tpu.memory_space<hbm>>
      tpu.wait_indirect_dma semaphore(%arg11 : memref<!tpu.dma_semaphore, #tpu.memory_space<semaphore_mem>>) src(%dma_wait3A_122 : memref<1000000x128xf32, #tpu.memory_space<hbm>>) dst(%dma_wait3A_116 : memref<128x128xf32, #tpu.memory_space<vmem>>)
      %ge3A_123 = arith.constant 2 : i32
      %ge3A_124 = arith.cmpi sge, %add3A_113, %ge3A_123 : i32
      %convert_element_type3A_125 = arith.extui %ge3A_124 : i1 to i32
      %cond3A_126 = arith.constant 0 : i32
      %cond3A_127 = arith.cmpi ne, %convert_element_type3A_125, %cond3A_126 : i32
      scf.if %cond3A_127 {
        %sub3A = arith.constant 2 : i32
        %sub3A_145 = arith.subi %add3A_113, %sub3A : i32
        %dma_wait3A_146 = arith.constant 0 : i32
        %dma_wait3A_147 = tpu.memref_slice %arg4[%sub3A_145, %dma_wait3A_146, %multiple_of3A] : memref<200x64x4096xf32, #tpu.memory_space<hbm>> -> memref<1x64x128xf32, #tpu.memory_space<hbm>>
        %dma_wait3A_148 = tpu.memref_squeeze %dma_wait3A_147 : memref<1x64x128xf32, #tpu.memory_space<hbm>> -> memref<64x128xf32, #tpu.memory_space<hbm>>
        %dma_wait3A_149 = arith.constant 0 : i32
        %dma_wait3A_150 = tpu.memref_slice %arg4[%sub3A_145, %dma_wait3A_149, %multiple_of3A] : memref<200x64x4096xf32, #tpu.memory_space<hbm>> -> memref<1x64x128xf32, #tpu.memory_space<hbm>>
        %dma_wait3A_151 = tpu.memref_squeeze %dma_wait3A_150 : memref<1x64x128xf32, #tpu.memory_space<hbm>> -> memref<64x128xf32, #tpu.memory_space<hbm>>
        tpu.wait_dma2 semaphore(%arg13 : memref<!tpu.dma_semaphore, #tpu.memory_space<semaphore_mem>>) src(%arg9 : memref<64x128xf32, #tpu.memory_space<vmem>>) dst(%dma_wait3A_151 : memref<64x128xf32, #tpu.memory_space<hbm>>)
      } else {
      }
      %parallel_loop3A_128 = arith.constant 0 : i32
      %parallel_loop3A_129 = arith.constant 64 : i32
      %parallel_loop3A_130 = arith.constant 1 : i32
      %parallel_loop3A_131 = scf.for %parallel_loop3A_145 = %parallel_loop3A_128 to %parallel_loop3A_129 step %parallel_loop3A_130 iter_args(%parallel_loop3A_146 = %broadcast_in_dim3A_15) -> (vector<16xi32>)  : i32 {
        %parallel_loop3A_147 = tpu.vector_load_idx %arg7[%add3A_20, %parallel_loop3A_146] : memref<128x136xf32, #tpu.memory_space<vmem>>[vector<16xi32>, vector<16xi32>], vector<16xf32>,
        %parallel_loop3A_148 = arith.constant 8.000000e+00 : f32
        %parallel_loop3A_149 = vector.broadcast %parallel_loop3A_148 : f32 to vector<16xf32>
        %parallel_loop3A_150 = arith.mulf %parallel_loop3A_147, %parallel_loop3A_149 : vector<16xf32>
        %parallel_loop3A_151 = arith.index_cast %parallel_loop3A_145 : i32 to index
        %parallel_loop3A_152 = arith.constant 0 : index
        %parallel_loop3A_153 = tpu.vector_load %arg9[%parallel_loop3A_151, %parallel_loop3A_152] {strides = array<i32>} : memref<64x128xf32, #tpu.memory_space<vmem>>, vector<16xf32>,
        tpu.vector_store %arg9[%parallel_loop3A_151, %parallel_loop3A_152], %parallel_loop3A_150 {strides = array<i32>} : memref<64x128xf32, #tpu.memory_space<vmem>>, vector<16xf32>,
        %parallel_loop3A_154 = tpu.vector_load_idx %arg7[%add3A_23, %parallel_loop3A_146] : memref<128x136xf32, #tpu.memory_space<vmem>>[vector<16xi32>, vector<16xi32>], vector<16xf32>,
        %parallel_loop3A_155 = arith.constant 8.000000e+00 : f32
        %parallel_loop3A_156 = vector.broadcast %parallel_loop3A_155 : f32 to vector<16xf32>
        %parallel_loop3A_157 = arith.mulf %parallel_loop3A_154, %parallel_loop3A_156 : vector<16xf32>
        %parallel_loop3A_158 = arith.index_cast %parallel_loop3A_145 : i32 to index
        %parallel_loop3A_159 = arith.constant 16 : index
        %parallel_loop3A_160 = tpu.vector_load %arg9[%parallel_loop3A_158, %parallel_loop3A_159] {strides = array<i32>} : memref<64x128xf32, #tpu.memory_space<vmem>>, vector<16xf32>,
        tpu.vector_store %arg9[%parallel_loop3A_158, %parallel_loop3A_159], %parallel_loop3A_157 {strides = array<i32>} : memref<64x128xf32, #tpu.memory_space<vmem>>, vector<16xf32>,
        %parallel_loop3A_161 = tpu.vector_load_idx %arg7[%add3A_26, %parallel_loop3A_146] : memref<128x136xf32, #tpu.memory_space<vmem>>[vector<16xi32>, vector<16xi32>], vector<16xf32>,
        %parallel_loop3A_162 = arith.constant 8.000000e+00 : f32
        %parallel_loop3A_163 = vector.broadcast %parallel_loop3A_162 : f32 to vector<16xf32>
        %parallel_loop3A_164 = arith.mulf %parallel_loop3A_161, %parallel_loop3A_163 : vector<16xf32>
        %parallel_loop3A_165 = arith.index_cast %parallel_loop3A_145 : i32 to index
        %parallel_loop3A_166 = arith.constant 32 : index
        %parallel_loop3A_167 = tpu.vector_load %arg9[%parallel_loop3A_165, %parallel_loop3A_166] {strides = array<i32>} : memref<64x128xf32, #tpu.memory_space<vmem>>, vector<16xf32>,
        tpu.vector_store %arg9[%parallel_loop3A_165, %parallel_loop3A_166], %parallel_loop3A_164 {strides = array<i32>} : memref<64x128xf32, #tpu.memory_space<vmem>>, vector<16xf32>,
        %parallel_loop3A_168 = tpu.vector_load_idx %arg7[%add3A_29, %parallel_loop3A_146] : memref<128x136xf32, #tpu.memory_space<vmem>>[vector<16xi32>, vector<16xi32>], vector<16xf32>,
        %parallel_loop3A_169 = arith.constant 8.000000e+00 : f32
        %parallel_loop3A_170 = vector.broadcast %parallel_loop3A_169 : f32 to vector<16xf32>
        %parallel_loop3A_171 = arith.mulf %parallel_loop3A_168, %parallel_loop3A_170 : vector<16xf32>
        %parallel_loop3A_172 = arith.index_cast %parallel_loop3A_145 : i32 to index
        %parallel_loop3A_173 = arith.constant 48 : index
        %parallel_loop3A_174 = tpu.vector_load %arg9[%parallel_loop3A_172, %parallel_loop3A_173] {strides = array<i32>} : memref<64x128xf32, #tpu.memory_space<vmem>>, vector<16xf32>,
        tpu.vector_store %arg9[%parallel_loop3A_172, %parallel_loop3A_173], %parallel_loop3A_171 {strides = array<i32>} : memref<64x128xf32, #tpu.memory_space<vmem>>, vector<16xf32>,
        %parallel_loop3A_175 = tpu.vector_load_idx %arg7[%add3A_32, %parallel_loop3A_146] : memref<128x136xf32, #tpu.memory_space<vmem>>[vector<16xi32>, vector<16xi32>], vector<16xf32>,
        %parallel_loop3A_176 = arith.constant 8.000000e+00 : f32
        %parallel_loop3A_177 = vector.broadcast %parallel_loop3A_176 : f32 to vector<16xf32>
        %parallel_loop3A_178 = arith.mulf %parallel_loop3A_175, %parallel_loop3A_177 : vector<16xf32>
        %parallel_loop3A_179 = arith.index_cast %parallel_loop3A_145 : i32 to index
        %parallel_loop3A_180 = arith.constant 64 : index
        %parallel_loop3A_181 = tpu.vector_load %arg9[%parallel_loop3A_179, %parallel_loop3A_180] {strides = array<i32>} : memref<64x128xf32, #tpu.memory_space<vmem>>, vector<16xf32>,
        tpu.vector_store %arg9[%parallel_loop3A_179, %parallel_loop3A_180], %parallel_loop3A_178 {strides = array<i32>} : memref<64x128xf32, #tpu.memory_space<vmem>>, vector<16xf32>,
        %parallel_loop3A_182 = tpu.vector_load_idx %arg7[%add3A_35, %parallel_loop3A_146] : memref<128x136xf32, #tpu.memory_space<vmem>>[vector<16xi32>, vector<16xi32>], vector<16xf32>,
        %parallel_loop3A_183 = arith.constant 8.000000e+00 : f32
        %parallel_loop3A_184 = vector.broadcast %parallel_loop3A_183 : f32 to vector<16xf32>
        %parallel_loop3A_185 = arith.mulf %parallel_loop3A_182, %parallel_loop3A_184 : vector<16xf32>
        %parallel_loop3A_186 = arith.index_cast %parallel_loop3A_145 : i32 to index
        %parallel_loop3A_187 = arith.constant 80 : index
        %parallel_loop3A_188 = tpu.vector_load %arg9[%parallel_loop3A_186, %parallel_loop3A_187] {strides = array<i32>} : memref<64x128xf32, #tpu.memory_space<vmem>>, vector<16xf32>,
        tpu.vector_store %arg9[%parallel_loop3A_186, %parallel_loop3A_187], %parallel_loop3A_185 {strides = array<i32>} : memref<64x128xf32, #tpu.memory_space<vmem>>, vector<16xf32>,
        %parallel_loop3A_189 = tpu.vector_load_idx %arg7[%add3A_38, %parallel_loop3A_146] : memref<128x136xf32, #tpu.memory_space<vmem>>[vector<16xi32>, vector<16xi32>], vector<16xf32>,
        %parallel_loop3A_190 = arith.constant 8.000000e+00 : f32
        %parallel_loop3A_191 = vector.broadcast %parallel_loop3A_190 : f32 to vector<16xf32>
        %parallel_loop3A_192 = arith.mulf %parallel_loop3A_189, %parallel_loop3A_191 : vector<16xf32>
        %parallel_loop3A_193 = arith.index_cast %parallel_loop3A_145 : i32 to index
        %parallel_loop3A_194 = arith.constant 96 : index
        %parallel_loop3A_195 = tpu.vector_load %arg9[%parallel_loop3A_193, %parallel_loop3A_194] {strides = array<i32>} : memref<64x128xf32, #tpu.memory_space<vmem>>, vector<16xf32>,
        tpu.vector_store %arg9[%parallel_loop3A_193, %parallel_loop3A_194], %parallel_loop3A_192 {strides = array<i32>} : memref<64x128xf32, #tpu.memory_space<vmem>>, vector<16xf32>,
        %parallel_loop3A_196 = tpu.vector_load_idx %arg7[%add3A_41, %parallel_loop3A_146] : memref<128x136xf32, #tpu.memory_space<vmem>>[vector<16xi32>, vector<16xi32>], vector<16xf32>,
        %parallel_loop3A_197 = arith.constant 8.000000e+00 : f32
        %parallel_loop3A_198 = vector.broadcast %parallel_loop3A_197 : f32 to vector<16xf32>
        %parallel_loop3A_199 = arith.mulf %parallel_loop3A_196, %parallel_loop3A_198 : vector<16xf32>
        %parallel_loop3A_200 = arith.index_cast %parallel_loop3A_145 : i32 to index
        %parallel_loop3A_201 = arith.constant 112 : index
        %parallel_loop3A_202 = tpu.vector_load %arg9[%parallel_loop3A_200, %parallel_loop3A_201] {strides = array<i32>} : memref<64x128xf32, #tpu.memory_space<vmem>>, vector<16xf32>,
        tpu.vector_store %arg9[%parallel_loop3A_200, %parallel_loop3A_201], %parallel_loop3A_199 {strides = array<i32>} : memref<64x128xf32, #tpu.memory_space<vmem>>, vector<16xf32>,
        %parallel_loop3A_203 = arith.addi %parallel_loop3A_146, %broadcast_in_dim3A_17 : vector<16xi32>
        scf.yield %parallel_loop3A_203 : vector<16xi32>
      } {sc.loop_unroll_factor = 8 : i64, sc.parallel_access}
      %add3A_132 = arith.constant 2 : i32
      %add3A_133 = arith.addi %add3A_113, %add3A_132 : i32
      %lt3A_134 = arith.constant 200 : i32
      %lt3A_135 = arith.cmpi slt, %add3A_133, %lt3A_134 : i32
      %convert_element_type3A_136 = arith.extui %lt3A_135 : i1 to i32
      %cond3A_137 = arith.constant 0 : i32
      %cond3A_138 = arith.cmpi ne, %convert_element_type3A_136, %cond3A_137 : i32
      scf.if %cond3A_138 {
        %add3A_145 = arith.constant 2 : i32
        %add3A_146 = arith.addi %add3A_113, %add3A_145 : i32
        %dma_start3A_147 = arith.constant 0 : i32
        %dma_start3A_148 = arith.constant 0 : i32
        %dma_start3A_149 = tpu.memref_slice %arg7[%dma_start3A_147, %dma_start3A_148] : memref<128x136xf32, #tpu.memory_space<vmem>> -> memref<128x128xf32, #tpu.memory_space<vmem>>
        %dma_start3A_150 = arith.constant 0 : i32
        %dma_start3A_151 = tpu.memref_slice %arg5[%add3A_146, %dma_start3A_150] : memref<200x128xi32, #tpu.memory_space<vmem>> -> memref<1x128xi32, #tpu.memory_space<vmem>>
        %dma_start3A_152 = tpu.memref_squeeze %dma_start3A_151 : memref<1x128xi32, #tpu.memory_space<vmem>> -> memref<128xi32, #tpu.memory_space<vmem>>
        %dma_start3A_153 = arith.constant 0 : i32
        %dma_start3A_154 = arith.constant 0 : i32
        %dma_start3A_155 = tpu.memref_slice %arg3[%dma_start3A_153, %dma_start3A_154] : memref<1000000x128xf32, #tpu.memory_space<hbm>> -> memref<1000000x128xf32, #tpu.memory_space<hbm>>
        tpu.enqueue_indirect_dma source(%dma_start3A_155 : memref<1000000x128xf32, #tpu.memory_space<hbm>>) target(%dma_start3A_149 : memref<128x128xf32, #tpu.memory_space<vmem>>) offsets(%dma_start3A_152 : memref<128xi32, #tpu.memory_space<vmem>>) semaphore(%arg11 : memref<!tpu.dma_semaphore, #tpu.memory_space<semaphore_mem>>)
      } else {
      }
      %dma_start3A_139 = arith.constant 0 : i32
      %dma_start3A_140 = tpu.memref_slice %arg4[%add3A_113, %dma_start3A_139, %multiple_of3A] : memref<200x64x4096xf32, #tpu.memory_space<hbm>> -> memref<1x64x128xf32, #tpu.memory_space<hbm>>
      %dma_start3A_141 = tpu.memref_squeeze %dma_start3A_140 : memref<1x64x128xf32, #tpu.memory_space<hbm>> -> memref<64x128xf32, #tpu.memory_space<hbm>>
      %dma_start3A_142 = arith.constant 0 : i32
      %dma_start3A_143 = tpu.memref_slice %arg4[%add3A_113, %dma_start3A_142, %multiple_of3A] : memref<200x64x4096xf32, #tpu.memory_space<hbm>> -> memref<1x64x128xf32, #tpu.memory_space<hbm>>
      %dma_start3A_144 = tpu.memref_squeeze %dma_start3A_143 : memref<1x64x128xf32, #tpu.memory_space<hbm>> -> memref<64x128xf32, #tpu.memory_space<hbm>>
      tpu.enqueue_dma source(%arg9 : memref<64x128xf32, #tpu.memory_space<vmem>>) target(%dma_start3A_144 : memref<64x128xf32, #tpu.memory_space<hbm>>) target_semaphore(%arg13 : memref<!tpu.dma_semaphore, #tpu.memory_space<semaphore_mem>>)
    }
    %scan3A_65 = arith.constant 100 : i32
    %dma_wait3A = arith.constant 198 : i32
    %dma_wait3A_66 = arith.constant 0 : i32
    %dma_wait3A_67 = tpu.memref_slice %arg4[%dma_wait3A, %dma_wait3A_66, %multiple_of3A] : memref<200x64x4096xf32, #tpu.memory_space<hbm>> -> memref<1x64x128xf32, #tpu.memory_space<hbm>>
    %dma_wait3A_68 = tpu.memref_squeeze %dma_wait3A_67 : memref<1x64x128xf32, #tpu.memory_space<hbm>> -> memref<64x128xf32, #tpu.memory_space<hbm>>
    %dma_wait3A_69 = arith.constant 0 : i32
    %dma_wait3A_70 = tpu.memref_slice %arg4[%dma_wait3A, %dma_wait3A_69, %multiple_of3A] : memref<200x64x4096xf32, #tpu.memory_space<hbm>> -> memref<1x64x128xf32, #tpu.memory_space<hbm>>
    %dma_wait3A_71 = tpu.memref_squeeze %dma_wait3A_70 : memref<1x64x128xf32, #tpu.memory_space<hbm>> -> memref<64x128xf32, #tpu.memory_space<hbm>>
    tpu.wait_dma2 semaphore(%arg12 : memref<!tpu.dma_semaphore, #tpu.memory_space<semaphore_mem>>) src(%arg8 : memref<64x128xf32, #tpu.memory_space<vmem>>) dst(%dma_wait3A_71 : memref<64x128xf32, #tpu.memory_space<hbm>>)
    %dma_wait3A_72 = arith.constant 199 : i32
    %dma_wait3A_73 = arith.constant 0 : i32
    %dma_wait3A_74 = tpu.memref_slice %arg4[%dma_wait3A_72, %dma_wait3A_73, %multiple_of3A] : memref<200x64x4096xf32, #tpu.memory_space<hbm>> -> memref<1x64x128xf32, #tpu.memory_space<hbm>>
    %dma_wait3A_75 = tpu.memref_squeeze %dma_wait3A_74 : memref<1x64x128xf32, #tpu.memory_space<hbm>> -> memref<64x128xf32, #tpu.memory_space<hbm>>
    %dma_wait3A_76 = arith.constant 0 : i32
    %dma_wait3A_77 = tpu.memref_slice %arg4[%dma_wait3A_72, %dma_wait3A_76, %multiple_of3A] : memref<200x64x4096xf32, #tpu.memory_space<hbm>> -> memref<1x64x128xf32, #tpu.memory_space<hbm>>
    %dma_wait3A_78 = tpu.memref_squeeze %dma_wait3A_77 : memref<1x64x128xf32, #tpu.memory_space<hbm>> -> memref<64x128xf32, #tpu.memory_space<hbm>>
    tpu.wait_dma2 semaphore(%arg13 : memref<!tpu.dma_semaphore, #tpu.memory_space<semaphore_mem>>) src(%arg9 : memref<64x128xf32, #tpu.memory_space<vmem>>) dst(%dma_wait3A_78 : memref<64x128xf32, #tpu.memory_space<hbm>>)
    return
  }
}

</mosaic_0001>

<sc_bundles>
// kernel: kernel.3.cloned.1.call-start
scs
__scs_entry_jumppad:
0x0: {  	(pc) =	sbr.rel $0x88, $3  }
0x1: {  	(tag) =	ssettag $0x0;
	lr =	simm.s32 $0x1  }
0x2: {  	[smem:$0x3F9F] =	sst lr;
	_ =	strace $0xD0000000  }
0x3: {  	_ = 	snop  }
0x4: {  	_ = 	snop  }
0x5: {  	_ = 	snop  }
0x6: {  	_ = 	snop  }
0x7: {  	_ = 	snop  }
__scs_overlays_trampoline_lowered:
0x8: {  	[smem:$0x3FAE] =	sst s0  }
0x9: {  	[smem:$0x3FAF] =	sst s1  }
0xa: {  	[smem:$0x3FB0] =	sst s2  }
0xb: {  	[smem:$0x3FB1] =	sst s3  }
0xc: {  	[smem:$0x3FB2] =	sst s4  }
0xd: {  	[smem:$0x3FB3] =	sst s5  }
0xe: {  	[smem:$0x3FB4] =	sst s6  }
0xf: {  	[smem:$0x3FB5] =	sst s7  }
0x10: {  	[smem:$0x3FB6] =	sst s8  }
0x11: {  	[smem:$0x3FB7] =	sst s9;
	s0 =	simm.s32 @!p0 $0x0  }
0x12: {  	s1 =	sld [smem:$0x3F9D];
	s0 =	simm.s32 @p0 $0x1  }
0x13: {  	[smem:$0x3FB8] =	sst s0;
	s0 =	simm.s32 @!p1 $0x0  }
0x14: {  	s2 =	sld [smem:$0x3F9C];
	s0 =	simm.s32 @p1 $0x1  }
0x15: {  	[smem:$0x3FB9] =	sst s0;
	s0 =	simm.s32 @!p2 $0x0  }
0x16: {  	s3 =	sld [smem:$0x3FDB];
	s0 =	simm.s32 @p2 $0x1  }
0x17: {  	s4 =	simm.s32 $0x1BF5;
	[smem:$0x3FBB] =	sst s0  }
0x18: {  	s0 =	sld [smem:$0x3F9E];
	_ =	swait.ge [sflag:s4], $0x0  }
0x19: {  	s7 =	sld [smem:$0x3F9F]  }
0x1a: {  	s8 =	sadd.s32 $0xFFFFE003, lr  }
0x1b: {  	s9 =	sadd.s32 $0xFFFFFEF7, lr;
	s5 =	simm.s32 $0xFFFFFFFF;
	p2 =	slt.u32 s8, $0xFFFFF086  }
0x1c: {  	p1 =	slt.u32 s9, $0xF7A;
	s5 =	simm.s32 @!p2 $0x0  }
0x1d: {  	s5 =	simm.s32 @p1 $0x1;
	p0 =	seq.s32 s7, s2  }
0x1e: {  	s7 =	smul.u32 @!p0 $0xF7A, s2;
	p2 =	seq.s32 @!p0 s5, $0x0  }
0x1f: {  	s9 =	smul.u32 $0xF7A, s1;
	s8 =	simm.s32 @!p0 $0x1BF5;
	p2 =	por !p2, p0  }
0x20: {  	[sflag:s8] =	ssyncset.s32 @!p0 $0xFFFFF086;
	s6 =	sadd.s32 @!p0 s3, s7;
	s7 =	simm.s32 @!p0 $0x108  }
0x21: {  	s3 =	sadd.s32 s3, s9;
	s6 =	sadd.s32 @!p0 $0x88, s6;
	s7 =	simm.s32 @p2 $0x1082  }
0x22: {  	[simem:s7], [sflag:s8] =	dma.local @!p0 [hbm:s6], $0xF7A  }
0x23: {  	s9 =	sor.u32 $0xD0000000, s2;
	s6 =	simm.s32 $0x108;
	_ =	swait.ge @!p0 [sflag:s8], $0x0  }
0x24: {  	s3 =	sadd.s32 $0x88, s3;
	s6 =	simm.s32 @!p1 $0x1082;
	[sflag:s4] =	ssyncset.s32 $0xFFFFF086  }
0x25: {  	[simem:s6], [sflag:s4] =	dma.local [hbm:s3], $0xF7A  }
0x26: {  	[smem:$0x3F9F] =	sst s1;
	(tag) =	ssettag s2;
	_ =	strace s9  }
0x27: {  	s1 =	sld [smem:$0x3FAF]  }
0x28: {  	s2 =	sld [smem:$0x3FB0]  }
0x29: {  	s4 =	sld [smem:$0x3FB2]  }
0x2a: {  	p0 =	seq.s32 s5, $0x0;
	s5 =	sld [smem:$0x3FB3]  }
0x2b: {  	s6 =	sld [smem:$0x3FB4]  }
0x2c: {  	s7 =	sld [smem:$0x3FB5]  }
0x2d: {  	s3 =	simm.s32 $0x108;
	s8 =	sld [smem:$0x3FB6]  }
0x2e: {  	s3 =	simm.s32 @!p0 $0x1082;
	s9 =	sld [smem:$0x3FB7]  }
0x2f: {  	lr =	sadd.s32 s0, s3;
	s0 =	sld [smem:$0x3FAE]  }
0x30: {  	s3 =	sld [smem:$0x3FB1]  }
0x31: {  	[smem:$0x3FBA] =	sst s10  }
0x32: {  	s10 =	sld [smem:$0x3FB8];
	_ =	sdelay $0x3  }
0x33: {  	p0 =	seq.s32 s10, $0x1;
	s10 =	sld [smem:$0x3FBA];
	_ =	sdelay $0x3  }
0x34: {  	[smem:$0x3FBA] =	sst s10  }
0x35: {  	s10 =	sld [smem:$0x3FB9];
	_ =	sdelay $0x3  }
0x36: {  	p1 =	seq.s32 s10, $0x1;
	s10 =	sld [smem:$0x3FBA];
	_ =	sdelay $0x3  }
0x37: {  	[smem:$0x3FBA] =	sst s10  }
0x38: {  	s10 =	sld [smem:$0x3FBB]  }
0x39: {  	_ = 	snop;
	(pc) =	sbr.ind lr, $3  }
0x3a: {  	_ = 	snop  }
0x3b: {  	_ = 	snop  }
0x3c: {  	p2 =	seq.s32 s10, $0x1;
	s10 =	sld [smem:$0x3FBA]  }
0x3d: {  	_ =	shalt  }
0x3e: {  	_ =	shalt  }
0x3f: {  	_ =	shalt  }
0x40: {  	_ =	shalt  }
0x41: {  	_ =	shalt  }
0x42: {  	_ =	shalt  }
0x43: {  	_ =	shalt  }
0x44: {  	_ =	shalt  }
0x45: {  	_ =	shalt  }
0x46: {  	_ =	shalt  }
0x47: {  	_ =	shalt  }
0x48: {  	_ =	shalt  }
0x49: {  	_ =	shalt  }
0x4a: {  	_ =	shalt  }
0x4b: {  	_ =	shalt  }
0x4c: {  	_ =	shalt  }
0x4d: {  	_ =	shalt  }
0x4e: {  	_ =	shalt  }
0x4f: {  	_ =	shalt  }
0x50: {  	_ =	shalt  }
0x51: {  	_ =	shalt  }
0x52: {  	_ =	shalt  }
0x53: {  	_ =	shalt  }
0x54: {  	_ =	shalt  }
0x55: {  	_ =	shalt  }
0x56: {  	_ =	shalt  }
0x57: {  	_ =	shalt  }
0x58: {  	_ =	shalt  }
0x59: {  	_ =	shalt  }
0x5a: {  	_ =	shalt  }
0x5b: {  	_ =	shalt  }
0x5c: {  	_ =	shalt  }
0x5d: {  	_ =	shalt  }
0x5e: {  	_ =	shalt  }
0x5f: {  	_ =	shalt  }
0x60: {  	_ =	shalt  }
0x61: {  	_ =	shalt  }
0x62: {  	_ =	shalt  }
0x63: {  	_ =	shalt  }
0x64: {  	_ =	shalt  }
0x65: {  	_ =	shalt  }
0x66: {  	_ =	shalt  }
0x67: {  	_ =	shalt  }
0x68: {  	_ =	shalt  }
0x69: {  	_ =	shalt  }
0x6a: {  	_ =	shalt  }
0x6b: {  	_ =	shalt  }
0x6c: {  	_ =	shalt  }
0x6d: {  	_ =	shalt  }
0x6e: {  	_ =	shalt  }
0x6f: {  	_ =	shalt  }
0x70: {  	_ =	shalt  }
0x71: {  	_ =	shalt  }
0x72: {  	_ =	shalt  }
0x73: {  	_ =	shalt  }
0x74: {  	_ =	shalt  }
0x75: {  	_ =	shalt  }
0x76: {  	_ =	shalt  }
0x77: {  	_ =	shalt  }
0x78: {  	_ =	shalt  }
0x79: {  	_ =	shalt  }
0x7a: {  	_ =	shalt  }
0x7b: {  	_ =	shalt  }
0x7c: {  	_ =	shalt  }
0x7d: {  	_ =	shalt  }
0x7e: {  	_ =	shalt  }
0x7f: {  	_ =	shalt  }
0x80: {  	_ =	shalt  }
0x81: {  	_ =	shalt  }
0x82: {  	_ =	shalt  }
0x83: {  	_ =	shalt  }
0x84: {  	_ =	shalt  }
0x85: {  	_ =	shalt  }
0x86: {  	_ =	shalt  }
0x87: {  	_ =	shalt  }
.Lfunc_end0:
.L_simem_size_0:
called_computation_lowered:
.L_overlay_start_0:
0x88: {  	s2 =	sld [smem:$0x3FD9]  }
0x89: {  	s3 =	sld [smem:$0x3FFE];
	_ =	sdelay $0x1  }
0x8a: {  	s1 =	srdreg.scid  }
0x8b: {  	s0 =	sand.u32 $0x1, s1  }
0x8c: {  	s17 =	sshll.u32 s0, $0xA;
	s2 =	sadd.s32 s3, s2  }
0x8d: {  	s2 =	sadd.s32 s2, s17  }
0x8e: {  	[smem:$0x3FC6] =	sst s2  }
0x8f: {  	_ = 	snop  }
0x90: {  	s2 =	sld [smem:$0x3FC9]  }
0x91: {  	s18 =	sld [smem:$0x3FD0];
	(tm) =	ssettm $0x1  }
0x92: {  	s4 =	sld [smem:$0x3FFB];
	_ =	sdelay $0x3  }
0x93: {  	_ =	strace s4  }
0x94: {  	s4 =	sld [smem:$0x3FFC];
	_ =	sdelay $0x3  }
0x95: {  	_ =	strace s4  }
0x96: {  	s4 =	sld [smem:$0x3FFD];
	_ =	sdelay $0x3  }
0x97: {  	_ =	strace s4  }
0x98: {  	_ =	strace $0x8FFFFFFF  }
0x99: {  	s19 =	sld [smem:$0x3FDB];
	_ =	sdelay $0x1  }
0x9a: {  	s5 =	simm.s32 $_scs_section_size  }
0x9b: {  	s6 =	simm.s32 $_size__tile_overlayer_lowered;
	s7 =	simm.s32 $_tile_overlayer_lowered  }
0x9c: {  	s22 =	simm.s32 $0x1BFF;
	s21 =	sshll.u32 s7, $0x1;
	s4 =	sadd.s32 s5, s19  }
0x9d: {  	s8 =	simm.s32 $0x0;
	s20 =	sshll.u32 s6, $0x1;
	s6 =	sadd.s32 s21, s4  }
0x9e: {  	[timem:s8], [sflag:s22] =	dma.local [hbm:s6], s20  }
0x9f: {  	_ =	swait.ge [sflag:s22], s20  }
0xa0: {  	s5 =	ssub.s32 $0x0, s20;
	[sflag:s22] =	ssyncset.done $0x0  }
0xa1: {  	[sflag:s22] =	ssyncadd.s32 s5;
	_ =	sdelay $0x1  }
0xa2: {  	s23 =	simm.s32 $0x1B8B  }
0xa3: {  	_ =	swait.ge [sflag:s23], $0x1  }
0xa4: {  	[sflag:s23] =	ssyncset.done $0x0  }
0xa5: {  	s25 =	simm.s32 $0x1B8E;
	s24 =	sld [smem:$0x3FFE];
	[sflag:s23] =	ssyncadd.s32 $0xFFFFFFFF  }
0xa6: {  	s26 =	simm.s32 $execute0_lowered;
	[smem:$0x3FD2] =	sst s25  }
0xa7: {  	s6 =	sshll.u32 s26, $0x1;
	_ =	strace $0x80000046;
	[dreg:$0x1] =	wrdreg $0xFFFFFFFF  }
0xa8: {  	s28 =	simm.s32 $_size_execute0_lowered;
	s4 =	sadd.s32 s4, s6;
	[dreg:$0x0] =	wrdreg $0x0  }
0xa9: {  	s6 =	sshll.u32 s28, $0x1;
	[dreg:$0x2] =	wrdreg s4  }
0xaa: {  	[dreg:$0x3] =	wrdreg s6  }
0xab: {  	[dreg:$0x4] =	wrdreg $0xC0  }
0xac: {  	_ =	task [dreg:s8], $0x5FFFF  }
0xad: {  	[dreg:$0x1] =	wrdreg $0xFFFFFFFF  }
0xae: {  	[dreg:$0x0] =	wrdreg $0x60  }
0xaf: {  	[dreg:$0x2] =	wrdreg s2  }
0xb0: {  	[dreg:$0x3] =	wrdreg s24  }
0xb1: {  	[dreg:$0x4] =	wrdreg s18  }
0xb2: {  	[dreg:$0x5] =	wrdreg $0x9  }
0xb3: {  	_ =	task.clear_ibuf [dreg:s8], $0x6FFFF;
	_ =	strace $0x90000046  }
0xb4: {  	s29 =	simm.s32 $0x9;
	_ =	strace $0x80000048  }
0xb5: {  	_ =	swait.ge [sflag:s29], $0x1  }
0xb6: {  	[sflag:s29] =	ssyncadd.s32 $0xFFFFFFFF  }
0xb7: {  	_ =	strace $0x90000048  }
0xb8: {  	_ =	sfence  }
0xb9: {  	s30 =	sld [smem:$0x0];
	_ =	sdelay $0x2  }
0xba: {  	s31 =	sshll.u32 s1, $0xD;
	s1 =	sshrl.u32 s1, $0x2  }
0xbb: {  	s3 =	sand.u32 $0x4000, s31;
	s1 =	sadd.s32 s1, s30  }
0xbc: {  	s0 =	sor.u32 s3, s0;
	s1 =	sshll.u32 s1, $0x11  }
0xbd: {  	s0 =	sor.u32 s1, s0  }
0xbe: {  	s0 =	sadd.s32 $0x8F2B, s0  }
0xbf: {  	[sflag:s0] =	ssyncadd.remote.s32 $0x1  }
0xc0: {  	_ =	sfence.sel $0xFFFF  }
0xc1: {  	[dreg:$0x0] =	wrdreg $0xFFFFFFFF;
	(pc) =	sbr.abs _section_cstart, $3  }
0xc2: {  	[dreg:$0x1] =	wrdreg $0xFFFFFFFF  }
0xc3: {  	_ =	task.clear_ibuf [dreg:s8], $0x2FFFF;
	_ =	strace $0x9FFFFFFF  }
0xc4: {  	(tm) =	ssettm $0x7FFFFFFF  }
0xc5: {  	_ =	shalt  }
tec
execute0_lowered:
.L_overlay_start_1:
0x0: {  	(tag) =	ssettag $0x1  }
0x1: {  	v0 =	vlaneseq.u32  }
0x2: {  	v61 =	vimm.s32 $0xB80;
	vm15 =	vcmask $0x300;
	v3 =	vimm.s32 $0x1B80  }
0x3: {  	vm14 =	vcmask $0x704;
	vm13 =	vcmask $0xB08;
	vm12 =	vcmask $0xF0C  }
0x4: {  	vm11 =	vcmask $0x1310;
	vm10 =	vcmask $0x1714;
	vm9 =	vcmask $0x1B18  }
0x5: {  	vm8 =	vcmask $0x1F1C;
	vm7 =	vcmask $0x2320;
	vm6 =	vcmask $0x2724  }
0x6: {  	vm5 =	vcmask $0x2B28;
	vm4 =	vcmask $0x2F2C;
	vm3 =	vcmask $0x3330  }
0x7: {  	vm2 =	vcmask $0x3734;
	vm1 =	vcmask $0x3B38;
	v62 =	vimm.s32 $0x2B80  }
0x8: {  	v6 =	vimm.s32 $0x4B80;
	v63 =	vimm.s32 $0x5B80;
	v3 =	vsel vm15, $0x1000, v3  }
0x9: {  	v9 =	vimm.s32 $0x7B80;
	v1 =	vshrl.u32 v0, $0x3;
	v3 =	vsel vm14, $0x1080, v3  }
0xa: {  	v2 =	vand.u32 $0x7, v0;
	v0 =	vor.u32 $0x8, v0;
	v3 =	vsel vm13, $0x1100, v3  }
0xb: {  	v6 =	vsel vm15, $0x4000, v6;
	v9 =	vsel vm15, $0x7000, v9;
	v3 =	vsel vm12, $0x1180, v3  }
0xc: {  	[tilespmem:$0x1FF50] =	vst v2;
	v1 =	vmul.u32 $0x8, v1;
	v2 =	vsel vm15, $0x0, v61;
	v3 =	vsel vm11, $0x1200, v3  }
0xd: {  	[tilespmem:$0x1FF70] =	vst v0;
	v0 =	vsel vm15, $0x2000, v62;
	v6 =	vsel vm14, $0x4080, v6;
	v3 =	vsel vm10, $0x1280, v3  }
0xe: {  	v9 =	vsel vm14, $0x7080, v9;
	v2 =	vsel vm14, $0x80, v2;
	v3 =	vsel vm9, $0x1300, v3  }
0xf: {  	v0 =	vsel vm14, $0x2080, v0;
	v6 =	vsel vm13, $0x4100, v6;
	v3 =	vsel vm8, $0x1380, v3  }
0x10: {  	v9 =	vsel vm13, $0x7100, v9;
	v2 =	vsel vm13, $0x100, v2;
	v3 =	vsel vm7, $0x1800, v3  }
0x11: {  	v0 =	vsel vm13, $0x2100, v0;
	v6 =	vsel vm12, $0x4180, v6;
	v3 =	vsel vm6, $0x1880, v3  }
0x12: {  	v9 =	vsel vm12, $0x7180, v9;
	v2 =	vsel vm12, $0x180, v2;
	v3 =	vsel vm5, $0x1900, v3  }
0x13: {  	v0 =	vsel vm12, $0x2180, v0;
	v6 =	vsel vm11, $0x4200, v6;
	v3 =	vsel vm4, $0x1980, v3  }
0x14: {  	v9 =	vsel vm11, $0x7200, v9;
	v2 =	vsel vm11, $0x200, v2;
	v3 =	vsel vm3, $0x1A00, v3  }
0x15: {  	v0 =	vsel vm11, $0x2200, v0;
	v6 =	vsel vm10, $0x4280, v6;
	v5 =	vsel vm2, $0x1A80, v3  }
0x16: {  	v9 =	vsel vm10, $0x7280, v9;
	v17 =	vsel vm1, $0x1B00, v5;
	v5 =	vimm.s32 $0x3B80  }
0x17: {  	v2 =	vsel vm10, $0x280, v2;
	v0 =	vsel vm10, $0x2280, v0;
	v5 =	vsel vm15, $0x3000, v5  }
0x18: {  	v6 =	vsel vm9, $0x4300, v6;
	v9 =	vsel vm9, $0x7300, v9;
	v5 =	vsel vm14, $0x3080, v5  }
0x19: {  	v2 =	vsel vm9, $0x300, v2;
	v0 =	vsel vm9, $0x2300, v0;
	v5 =	vsel vm13, $0x3100, v5  }
0x1a: {  	v6 =	vsel vm8, $0x4380, v6;
	v9 =	vsel vm8, $0x7380, v9;
	v5 =	vsel vm12, $0x3180, v5  }
0x1b: {  	v2 =	vsel vm8, $0x380, v2;
	v0 =	vsel vm8, $0x2380, v0;
	v5 =	vsel vm11, $0x3200, v5  }
0x1c: {  	v6 =	vsel vm7, $0x4800, v6;
	v9 =	vsel vm7, $0x7800, v9;
	v5 =	vsel vm10, $0x3280, v5  }
0x1d: {  	v2 =	vsel vm7, $0x800, v2;
	v0 =	vsel vm7, $0x2800, v0;
	v5 =	vsel vm9, $0x3300, v5  }
0x1e: {  	v6 =	vsel vm6, $0x4880, v6;
	v9 =	vsel vm6, $0x7880, v9;
	v5 =	vsel vm8, $0x3380, v5  }
0x1f: {  	v2 =	vsel vm6, $0x880, v2;
	v0 =	vsel vm6, $0x2880, v0;
	v5 =	vsel vm7, $0x3800, v5  }
0x20: {  	v6 =	vsel vm5, $0x4900, v6;
	v0 =	vsel vm5, $0x2900, v0;
	v5 =	vsel vm6, $0x3880, v5  }
0x21: {  	v6 =	vsel vm4, $0x4980, v6;
	v0 =	vsel vm4, $0x2980, v0;
	v5 =	vsel vm5, $0x3900, v5  }
0x22: {  	v6 =	vsel vm3, $0x4A00, v6;
	v0 =	vsel vm3, $0x2A00, v0;
	v5 =	vsel vm4, $0x3980, v5  }
0x23: {  	v8 =	vsel vm2, $0x4A80, v6;
	v0 =	vsel vm2, $0x2A80, v0;
	v5 =	vsel vm3, $0x3A00, v5  }
0x24: {  	v7 =	vsel vm2, $0x3A80, v5;
	v5 =	vsel vm1, $0x2B00, v0;
	v0 =	vsel vm15, $0x5000, v63  }
0x25: {  	v6 =	vsel vm1, $0x3B00, v7;
	v7 =	vsel vm1, $0x4B00, v8;
	v8 =	vimm.s32 $0x6B80  }
0x26: {  	s0 =	rddreg [dreg:$0x0];
	v9 =	vsel vm5, $0x7900, v9;
	v0 =	vsel vm14, $0x5080, v0;
	v8 =	vsel vm15, $0x6000, v8  }
0x27: {  	s3 =	rddreg [dreg:$0x1];
	v2 =	vsel vm5, $0x900, v2;
	v0 =	vsel vm13, $0x5100, v0;
	v8 =	vsel vm14, $0x6080, v8  }
0x28: {  	s1 =	rddreg [dreg:$0x2];
	s2 =	simm.s32 $0x0;
	v9 =	vsel vm4, $0x7980, v9;
	v0 =	vsel vm12, $0x5180, v0;
	v8 =	vsel vm13, $0x6100, v8  }
0x29: {  	s9 =	simm.s32 $0x400;
	s12 =	simm.s32 $0x6400;
	s29 =	simm.s32 $0xE400;
	v2 =	vsel vm4, $0x980, v2;
	v0 =	vsel vm11, $0x5200, v0;
	v8 =	vsel vm12, $0x6180, v8  }
0x2a: {  	s8 =	simm.s32 $0x11400;
	s11 =	simm.s32 $0x11C00;
	s13 =	simm.s32 $0x12400;
	v9 =	vsel vm3, $0x7A00, v9;
	v0 =	vsel vm10, $0x5280, v0;
	v8 =	vsel vm11, $0x6200, v8  }
0x2b: {  	s14 =	simm.s32 $0x12C00;
	s15 =	simm.s32 $0x13400;
	s16 =	simm.s32 $0x13C00;
	v2 =	vsel vm3, $0xA00, v2;
	v0 =	vsel vm9, $0x5300, v0;
	v8 =	vsel vm10, $0x6280, v8  }
0x2c: {  	s17 =	simm.s32 $0x14400;
	s18 =	simm.s32 $0x14C00;
	s19 =	simm.s32 $0x15400;
	v11 =	vsel vm2, $0x7A80, v9;
	v0 =	vsel vm8, $0x5380, v0;
	v8 =	vsel vm9, $0x6300, v8  }
0x2d: {  	s4 =	srdreg.scid;
	s20 =	simm.s32 $0x15C00;
	[smem:$0x7FF] =	sst s2;
	[tilespmem:$0x1FF60] =	vst v1;
	v4 =	vsel vm2, $0xA80, v2;
	v0 =	vsel vm7, $0x5800, v0;
	v8 =	vsel vm8, $0x6380, v8  }
0x2e: {  	s5 =	stileid.u32;
	s10 =	simm.s32 $0x8000;
	_ =	strace $0x80000047;
	v34 =	vsel vm1, $0x7B00, v11;
	[tilespmem:$0x1FF90] =	vst v17;
	v0 =	vsel vm6, $0x5880, v0;
	v8 =	vsel vm7, $0x6800, v8  }
0x2f: {  	s21 =	simm.s32 $0x1;
	s22 =	simm.s32 $0x16400;
	s4 =	sand.u32 $0x1, s4;
	v4 =	vsel vm1, $0xB00, v4;
	[tilespmem:$0x1FFF0] =	vst v34;
	v0 =	vsel vm5, $0x5900, v0;
	v8 =	vsel vm6, $0x6880, v8  }
0x30: {  	s5 =	sshll.u32 s5, $0xB;
	s6 =	ssub.s32 $0x2, s4;
	s4 =	sshll.u32 s4, $0xA;
	[tilespmem:$0x1FF80] =	vst v4;
	v0 =	vsel vm4, $0x5980, v0;
	v8 =	vsel vm5, $0x6900, v8  }
.Ltmp0:
0x31: {  	s23 =	simm.s32 $0x2;
	s4 =	sor.u32 s4, s5;
	[tilespmem:$0x1FFA0] =	vst v5;
	v0 =	vsel vm3, $0x5A00, v0;
	v8 =	vsel vm4, $0x6980, v8;
	(pc) =	sbr.rel .LBB2_1-.Ltmp0, $4  }
0x32: {  	s24 =	simm.s32 $0x18400;
	s7 =	sshrl.u32 s6, $0x1;
	s30 =	sshrl.u32 s4, $0x3;
	[tilespmem:$0x1FFB0] =	vst v6;
	v0 =	vsel vm2, $0x5A80, v0;
	v8 =	vsel vm3, $0x6A00, v8  }
0x33: {  	s25 =	simm.s32 $0x0;
	s28 =	ssub.s32 s6, s7;
	s0 =	sadd.s32 s0, s30;
	[tilespmem:$0x1FFC0] =	vst v7;
	v10 =	vsel vm2, $0x6A80, v8;
	v8 =	vsel vm1, $0x5B00, v0  }
0x34: {  	s5 =	sadd.s32 $0xF42800, s3;
	s31 =	smax.u32 s28, $0x1;
	[dreg:$0x4] =	wrdreg s0;
	v9 =	vsel vm1, $0x6B00, v10;
	[tilespmem:$0x1FFD0] =	vst v8  }
0x35: {  	vm0 =	vmmov $0xff;
	s7 =	sadd.s32 $0x8000, s1;
	s6 =	simm.s32 $0x10C00;
	[dreg:$0x5] =	wrdreg s31;
	[tilespmem:$0x1FFE0] =	vst v9  }
.LBB2_11:
0x36: {  	s0 =	simm.s32 $0x3  }
0x37: {  	_ =	swait.ge [sflag:s0], $0x2000  }
0x38: {  	[sflag:s0] =	ssyncset.done $0x0  }
0x39: {  	s3 =	simm.s32 $0x4;
	[sflag:s0] =	ssyncadd.s32 $0xFFFFE000  }
0x3a: {  	_ =	swait.ge [sflag:s3], $0x2000  }
0x3b: {  	s25 =	rddreg [dreg:$0x6]  }
0x3c: {  	s31 =	rddreg [dreg:$0x5];
	s25 =	sadd.s32 $0x1, s25  }
0x3d: {  	p0 =	sne.s32 s25, s31  }
.Ltmp1:
0x3e: {  	_ = 	snop;
	(pc) =	sbr.rel @!p0 .LBB2_12-.Ltmp1, $3  }
0x3f: {  	_ =	sdelay $0x1  }
0x40: {  	[sflag:s3] =	ssyncset.done $0x0  }
0x41: {  	[sflag:s3] =	ssyncadd.s32 $0xFFFFE000  }
.LBB2_1:
0x42: {  	[dreg:$0x6] =	wrdreg s25  }
0x43: {  	s0 =	rddreg [dreg:$0x4];
	s30 =	simm.s32 $0x5  }
0x44: {  	[tilespmem:s2], [sflag:$0x5] =	stream.strided.gather [hbm4b:s0+s9], $0x6400, s10, s9, $0x38;
	[tilespmem:$0x1A400] =	vst v63  }
0x45: {  	_ =	swait.ge [sflag:s30], $0x6400  }
0x46: {  	[sflag:s30] =	ssyncset.done $0x0  }
0x47: {  	v1 =	vld [tilespmem:$0x1FF50];
	[sflag:s30] =	ssyncadd.s32 $0xFFFF9C00  }
0x48: {  	v0 =	vld [tilespmem:$0x0]  }
0x49: {  	v2 =	vld [tilespmem:$0x1FF60]  }
0x4a: {  	v3 =	vld [tilespmem:$0x1FF70];
	_ =	sdelay $0x2  }
0x4b: {  	v11 =	vperm.xlane v0, v1;
	_ =	sdelay $0x1  }
0x4c: {  	v0 =	vperm.xlane v0, v3;
	v11 =	vadd.s32 v2, v11;
	_ =	sdelay $0x1  }
0x4d: {  	v0 =	vadd.s32 v2, v0;
	_ =	sdelay $0x2  }
0x4e: {  	[tilespmem:s12], [sflag:$0x1] =	stream.indirect_vreg.gather [hbm4b:s5+s2], $0x80, v11, vm0, $0xb8;
	[tilespmem:$0x1A400] =	vst v63  }
0x4f: {  	s31 =	simm.s32 $0x6C00  }
0x50: {  	[tilespmem:s31], [sflag:$0x1] =	stream.indirect_vreg.gather [hbm4b:s5+s2], $0x80, v0, vm0, $0xb8;
	[tilespmem:$0x1A400] =	vst v63  }
0x51: {  	v0 =	vld [tilespmem:$0x10];
	_ =	sdelay $0x4  }
0x52: {  	v11 =	vperm.xlane v0, v1;
	_ =	sdelay $0x1  }
0x53: {  	v0 =	vperm.xlane v0, v3;
	v11 =	vadd.s32 v2, v11;
	_ =	sdelay $0x1  }
0x54: {  	v0 =	vadd.s32 v2, v0;
	_ =	sdelay $0x1  }
0x55: {  	s3 =	simm.s32 $0x7400  }
0x56: {  	[tilespmem:s3], [sflag:$0x1] =	stream.indirect_vreg.gather [hbm4b:s5+s2], $0x80, v11, vm0, $0xb8;
	[tilespmem:$0x1A400] =	vst v63  }
0x57: {  	s25 =	simm.s32 $0x7C00  }
0x58: {  	[tilespmem:s25], [sflag:$0x1] =	stream.indirect_vreg.gather [hbm4b:s5+s2], $0x80, v0, vm0, $0xb8;
	[tilespmem:$0x1A400] =	vst v63  }
0x59: {  	v0 =	vld [tilespmem:$0x20];
	_ =	sdelay $0x4  }
0x5a: {  	v11 =	vperm.xlane v0, v1;
	_ =	sdelay $0x1  }
0x5b: {  	v0 =	vperm.xlane v0, v3;
	v11 =	vadd.s32 v2, v11;
	_ =	sdelay $0x1  }
0x5c: {  	v0 =	vadd.s32 v2, v0;
	_ =	sdelay $0x1  }
0x5d: {  	s26 =	simm.s32 $0x8400  }
0x5e: {  	[tilespmem:s26], [sflag:$0x1] =	stream.indirect_vreg.gather [hbm4b:s5+s2], $0x80, v11, vm0, $0xb8;
	[tilespmem:$0x1A400] =	vst v63  }
0x5f: {  	s28 =	simm.s32 $0x8C00  }
0x60: {  	[tilespmem:s28], [sflag:$0x1] =	stream.indirect_vreg.gather [hbm4b:s5+s2], $0x80, v0, vm0, $0xb8;
	[tilespmem:$0x1A400] =	vst v63  }
0x61: {  	v0 =	vld [tilespmem:$0x30];
	_ =	sdelay $0x4  }
0x62: {  	v11 =	vperm.xlane v0, v1;
	_ =	sdelay $0x1  }
0x63: {  	v0 =	vperm.xlane v0, v3;
	v11 =	vadd.s32 v2, v11;
	_ =	sdelay $0x1  }
0x64: {  	v0 =	vadd.s32 v2, v0;
	_ =	sdelay $0x1  }
0x65: {  	s30 =	simm.s32 $0x9400  }
0x66: {  	[tilespmem:s30], [sflag:$0x1] =	stream.indirect_vreg.gather [hbm4b:s5+s2], $0x80, v11, vm0, $0xb8;
	[tilespmem:$0x1A400] =	vst v63  }
0x67: {  	s31 =	simm.s32 $0x9C00  }
0x68: {  	[tilespmem:s31], [sflag:$0x1] =	stream.indirect_vreg.gather [hbm4b:s5+s2], $0x80, v0, vm0, $0xb8;
	[tilespmem:$0x1A400] =	vst v63  }
0x69: {  	v0 =	vld [tilespmem:$0x40];
	_ =	sdelay $0x4  }
0x6a: {  	v11 =	vperm.xlane v0, v1;
	_ =	sdelay $0x1  }
0x6b: {  	v0 =	vperm.xlane v0, v3;
	v11 =	vadd.s32 v2, v11;
	_ =	sdelay $0x1  }
0x6c: {  	v0 =	vadd.s32 v2, v0;
	_ =	sdelay $0x1  }
0x6d: {  	s3 =	simm.s32 $0xA400  }
0x6e: {  	[tilespmem:s3], [sflag:$0x1] =	stream.indirect_vreg.gather [hbm4b:s5+s2], $0x80, v11, vm0, $0xb8;
	[tilespmem:$0x1A400] =	vst v63  }
0x6f: {  	s25 =	simm.s32 $0xAC00  }
0x70: {  	[tilespmem:s25], [sflag:$0x1] =	stream.indirect_vreg.gather [hbm4b:s5+s2], $0x80, v0, vm0, $0xb8;
	[tilespmem:$0x1A400] =	vst v63  }
0x71: {  	v0 =	vld [tilespmem:$0x50];
	_ =	sdelay $0x4  }
0x72: {  	v11 =	vperm.xlane v0, v1;
	_ =	sdelay $0x1  }
0x73: {  	v0 =	vperm.xlane v0, v3;
	v11 =	vadd.s32 v2, v11;
	_ =	sdelay $0x1  }
0x74: {  	v0 =	vadd.s32 v2, v0;
	_ =	sdelay $0x1  }
0x75: {  	s26 =	simm.s32 $0xB400  }
0x76: {  	[tilespmem:s26], [sflag:$0x1] =	stream.indirect_vreg.gather [hbm4b:s5+s2], $0x80, v11, vm0, $0xb8;
	[tilespmem:$0x1A400] =	vst v63  }
0x77: {  	s28 =	simm.s32 $0xBC00  }
0x78: {  	[tilespmem:s28], [sflag:$0x1] =	stream.indirect_vreg.gather [hbm4b:s5+s2], $0x80, v0, vm0, $0xb8;
	[tilespmem:$0x1A400] =	vst v63  }
0x79: {  	v0 =	vld [tilespmem:$0x60];
	_ =	sdelay $0x4  }
0x7a: {  	v11 =	vperm.xlane v0, v1;
	_ =	sdelay $0x1  }
0x7b: {  	v0 =	vperm.xlane v0, v3;
	v11 =	vadd.s32 v2, v11;
	_ =	sdelay $0x1  }
0x7c: {  	v0 =	vadd.s32 v2, v0;
	_ =	sdelay $0x1  }
0x7d: {  	s30 =	simm.s32 $0xC400  }
0x7e: {  	[tilespmem:s30], [sflag:$0x1] =	stream.indirect_vreg.gather [hbm4b:s5+s2], $0x80, v11, vm0, $0xb8;
	[tilespmem:$0x1A400] =	vst v63  }
0x7f: {  	s31 =	simm.s32 $0xCC00  }
0x80: {  	[tilespmem:s31], [sflag:$0x1] =	stream.indirect_vreg.gather [hbm4b:s5+s2], $0x80, v0, vm0, $0xb8;
	[tilespmem:$0x1A400] =	vst v63  }
0x81: {  	v0 =	vld [tilespmem:$0x70];
	_ =	sdelay $0x4  }
0x82: {  	v11 =	vperm.xlane v0, v1;
	_ =	sdelay $0x1  }
0x83: {  	v0 =	vperm.xlane v0, v3;
	v11 =	vadd.s32 v2, v11;
	_ =	sdelay $0x1  }
0x84: {  	v0 =	vadd.s32 v2, v0;
	_ =	sdelay $0x1  }
0x85: {  	s3 =	simm.s32 $0xD400  }
0x86: {  	[tilespmem:s3], [sflag:$0x1] =	stream.indirect_vreg.gather [hbm4b:s5+s2], $0x80, v11, vm0, $0xb8;
	[tilespmem:$0x1A400] =	vst v63  }
0x87: {  	s25 =	simm.s32 $0xDC00  }
0x88: {  	[tilespmem:s25], [sflag:$0x1] =	stream.indirect_vreg.gather [hbm4b:s5+s2], $0x80, v0, vm0, $0xb8;
	[tilespmem:$0x1A400] =	vst v63  }
0x89: {  	v0 =	vld [tilespmem:$0x80];
	_ =	sdelay $0x4  }
0x8a: {  	v11 =	vperm.xlane v0, v1;
	_ =	sdelay $0x1  }
0x8b: {  	v0 =	vperm.xlane v0, v3;
	v11 =	vadd.s32 v2, v11;
	_ =	sdelay $0x1  }
0x8c: {  	v0 =	vadd.s32 v2, v0;
	_ =	sdelay $0x2  }
0x8d: {  	[tilespmem:s29], [sflag:$0x2] =	stream.indirect_vreg.gather [hbm4b:s5+s2], $0x80, v11, vm0, $0xb8;
	[tilespmem:$0x1A400] =	vst v63  }
0x8e: {  	s26 =	simm.s32 $0xEC00  }
0x8f: {  	[tilespmem:s26], [sflag:$0x2] =	stream.indirect_vreg.gather [hbm4b:s5+s2], $0x80, v0, vm0, $0xb8;
	[tilespmem:$0x1A400] =	vst v63  }
0x90: {  	v0 =	vld [tilespmem:$0x90];
	_ =	sdelay $0x4  }
0x91: {  	v11 =	vperm.xlane v0, v1;
	_ =	sdelay $0x1  }
0x92: {  	v0 =	vperm.xlane v0, v3;
	v11 =	vadd.s32 v2, v11;
	_ =	sdelay $0x1  }
0x93: {  	v0 =	vadd.s32 v2, v0;
	_ =	sdelay $0x1  }
0x94: {  	s28 =	simm.s32 $0xF400  }
0x95: {  	[tilespmem:s28], [sflag:$0x2] =	stream.indirect_vreg.gather [hbm4b:s5+s2], $0x80, v11, vm0, $0xb8;
	[tilespmem:$0x1A400] =	vst v63  }
0x96: {  	s30 =	simm.s32 $0xFC00  }
0x97: {  	[tilespmem:s30], [sflag:$0x2] =	stream.indirect_vreg.gather [hbm4b:s5+s2], $0x80, v0, vm0, $0xb8;
	[tilespmem:$0x1A400] =	vst v63  }
0x98: {  	v0 =	vld [tilespmem:$0xA0];
	_ =	sdelay $0x4  }
0x99: {  	v11 =	vperm.xlane v0, v1;
	_ =	sdelay $0x1  }
0x9a: {  	v0 =	vperm.xlane v0, v3;
	v11 =	vadd.s32 v2, v11;
	_ =	sdelay $0x1  }
0x9b: {  	v0 =	vadd.s32 v2, v0;
	_ =	sdelay $0x1  }
0x9c: {  	s31 =	simm.s32 $0x10400  }
0x9d: {  	[tilespmem:s31], [sflag:$0x2] =	stream.indirect_vreg.gather [hbm4b:s5+s2], $0x80, v11, vm0, $0xb8;
	[tilespmem:$0x1A400] =	vst v63  }
0x9e: {  	_ = 	snop  }
0x9f: {  	[tilespmem:s6], [sflag:$0x2] =	stream.indirect_vreg.gather [hbm4b:s5+s2], $0x80, v0, vm0, $0xb8;
	[tilespmem:$0x1A400] =	vst v63  }
0xa0: {  	v0 =	vld [tilespmem:$0xB0];
	_ =	sdelay $0x4  }
0xa1: {  	v11 =	vperm.xlane v0, v1;
	_ =	sdelay $0x1  }
0xa2: {  	v0 =	vperm.xlane v0, v3;
	v11 =	vadd.s32 v2, v11;
	_ =	sdelay $0x1  }
0xa3: {  	v0 =	vadd.s32 v2, v0;
	_ =	sdelay $0x2  }
0xa4: {  	[tilespmem:s8], [sflag:$0x2] =	stream.indirect_vreg.gather [hbm4b:s5+s2], $0x80, v11, vm0, $0xb8;
	[tilespmem:$0x1A400] =	vst v63  }
0xa5: {  	_ = 	snop  }
0xa6: {  	[tilespmem:s11], [sflag:$0x2] =	stream.indirect_vreg.gather [hbm4b:s5+s2], $0x80, v0, vm0, $0xb8;
	[tilespmem:$0x1A400] =	vst v63  }
0xa7: {  	v0 =	vld [tilespmem:$0xC0];
	_ =	sdelay $0x4  }
0xa8: {  	v11 =	vperm.xlane v0, v1;
	_ =	sdelay $0x1  }
0xa9: {  	v0 =	vperm.xlane v0, v3;
	v11 =	vadd.s32 v2, v11;
	_ =	sdelay $0x1  }
0xaa: {  	v0 =	vadd.s32 v2, v0;
	_ =	sdelay $0x2  }
0xab: {  	[tilespmem:s13], [sflag:$0x2] =	stream.indirect_vreg.gather [hbm4b:s5+s2], $0x80, v11, vm0, $0xb8;
	[tilespmem:$0x1A400] =	vst v63  }
0xac: {  	_ = 	snop  }
0xad: {  	[tilespmem:s14], [sflag:$0x2] =	stream.indirect_vreg.gather [hbm4b:s5+s2], $0x80, v0, vm0, $0xb8;
	[tilespmem:$0x1A400] =	vst v63  }
0xae: {  	v0 =	vld [tilespmem:$0xD0];
	_ =	sdelay $0x4  }
0xaf: {  	v11 =	vperm.xlane v0, v1;
	_ =	sdelay $0x1  }
0xb0: {  	v0 =	vperm.xlane v0, v3;
	v11 =	vadd.s32 v2, v11;
	_ =	sdelay $0x1  }
0xb1: {  	v0 =	vadd.s32 v2, v0;
	_ =	sdelay $0x2  }
0xb2: {  	[tilespmem:s15], [sflag:$0x2] =	stream.indirect_vreg.gather [hbm4b:s5+s2], $0x80, v11, vm0, $0xb8;
	[tilespmem:$0x1A400] =	vst v63  }
0xb3: {  	_ = 	snop  }
0xb4: {  	[tilespmem:s16], [sflag:$0x2] =	stream.indirect_vreg.gather [hbm4b:s5+s2], $0x80, v0, vm0, $0xb8;
	[tilespmem:$0x1A400] =	vst v63  }
0xb5: {  	v0 =	vld [tilespmem:$0xE0];
	_ =	sdelay $0x4  }
0xb6: {  	v11 =	vperm.xlane v0, v1;
	_ =	sdelay $0x1  }
0xb7: {  	v0 =	vperm.xlane v0, v3;
	v11 =	vadd.s32 v2, v11;
	_ =	sdelay $0x1  }
0xb8: {  	v0 =	vadd.s32 v2, v0;
	_ =	sdelay $0x2  }
0xb9: {  	[tilespmem:s17], [sflag:$0x2] =	stream.indirect_vreg.gather [hbm4b:s5+s2], $0x80, v11, vm0, $0xb8;
	[tilespmem:$0x1A400] =	vst v63  }
0xba: {  	_ = 	snop  }
0xbb: {  	[tilespmem:s18], [sflag:$0x2] =	stream.indirect_vreg.gather [hbm4b:s5+s2], $0x80, v0, vm0, $0xb8;
	[tilespmem:$0x1A400] =	vst v63  }
0xbc: {  	v0 =	vld [tilespmem:$0xF0];
	_ =	sdelay $0x4  }
0xbd: {  	v11 =	vperm.xlane v0, v1;
	_ =	sdelay $0x1  }
0xbe: {  	v0 =	vperm.xlane v0, v3;
	v11 =	vadd.s32 v2, v11;
	_ =	sdelay $0x1  }
0xbf: {  	v0 =	vadd.s32 v2, v0  }
.Ltmp2:
0xc0: {  	_ = 	snop;
	(pc) =	sbr.rel .LBB2_2-.Ltmp2, $4  }
0xc1: {  	_ = 	snop  }
0xc2: {  	[tilespmem:s19], [sflag:$0x2] =	stream.indirect_vreg.gather [hbm4b:s5+s2], $0x80, v11, vm0, $0xb8;
	[tilespmem:$0x1A400] =	vst v63  }
0xc3: {  	s25 =	simm.s32 $0x0  }
0xc4: {  	[tilespmem:s20], [sflag:$0x2] =	stream.indirect_vreg.gather [hbm4b:s5+s2], $0x80, v0, vm0, $0xb8;
	[tilespmem:$0x1A400] =	vst v63  }
.LBB2_10:
0xc5: {  	s25 =	sadd.s32 $0x1, s25  }
0xc6: {  	v4 =	vld [tilespmem:$0x1FF80];
	p0 =	sne.s32 s25, $0x64  }
.Ltmp3:
0xc7: {  	v5 =	vld [tilespmem:$0x1FFA0];
	(pc) =	sbr.rel @!p0 .LBB2_11-.Ltmp3, $4  }
0xc8: {  	v6 =	vld [tilespmem:$0x1FFB0]  }
0xc9: {  	v7 =	vld [tilespmem:$0x1FFC0]  }
0xca: {  	s0 =	sadd.s32 s28, s7;
	v8 =	vld [tilespmem:$0x1FFD0]  }
0xcb: {  	v9 =	vld [tilespmem:$0x1FFE0];
	[hbm4b:s0+s9] =	stream.strided.scatter [tilespmem:s24], [sflag:$0x4], $0x2000, s10, s9, $0x38  }
.LBB2_2:
0xcc: {  	v11 =	vimm.s32 $0x0  }
0xcd: {  	v0 =	vshll.u32 v11, $0x3  }
0xce: {  	v23 =	vand.u32 $0x78, v11;
	v26 =	vand.u32 $0xFFFFFC00, v0  }
0xcf: {  	_ =	swait.ge [sflag:s21], $0x4000;
	v24 =	vor.u32 $0x7, v23;
	v12 =	vadd.s32 v4, v26  }
0xd0: {  	p0 =	seq.s32 s25, $0x0;
	[sflag:s21] =	ssyncset.done $0x0;
	v0 =	vor.u32 v24, v12  }
0xd1: {  	s0 =	simm.s32 @!p0 $0x3;
	[sflag:s21] =	ssyncadd.s32 $0xFFFFC000;
	v57 =	vor.u32 $0x3, v23  }
0xd2: {  	_ =	swait.ge @!p0 [sflag:s0], $0x2000;
	v13 =	vor.u32 v57, v12  }
0xd3: {  	[sflag:s0] =	ssyncset.done @!p0 $0x0  }
0xd4: {  	[sflag:s0] =	ssyncadd.s32 @!p0 $0xFFFFE000  }
0xd5: {  	v0 =	vld.idx.msk [tilespmem:v0+s12+$0x0], $0xffff;
	_ =	sdelay $0x1  }
0xd6: {  	v14 =	vadd.s32 v17, v26;
	v13 =	vld.idx.msk [tilespmem:v13+s12+$0x0], $0xffff  }
0xd7: {  	v15 =	vor.u32 v24, v14;
	_ =	sdelay $0x1  }
0xd8: {  	v16 =	vor.u32 v57, v14;
	v0 =	vmul.f32 $8.000000000e+00, v0  }
0xd9: {  	s28 =	simm.s32 $0x16600  }
0xda: {  	v13 =	vmul.f32 $8.000000000e+00, v13;
	[tilespmem:s28+$0x180] =	vst v0  }
0xdb: {  	v58 =	vor.u32 $0x6, v23;
	v15 =	vld.idx.msk [tilespmem:v15+s12+$0x0], $0xffff  }
0xdc: {  	v17 =	vor.u32 v58, v12;
	[tilespmem:s28+$0xFFFFFF80] =	vst v13  }
0xdd: {  	v0 =	vadd.s32 v5, v26;
	v13 =	vld.idx.msk [tilespmem:v16+s12+$0x0], $0xffff  }
0xde: {  	v18 =	vor.u32 v24, v0;
	_ =	sdelay $0x1  }
0xdf: {  	v40 =	vor.u32 $0x2, v23;
	v20 =	vor.u32 v57, v0;
	v15 =	vmul.f32 $8.000000000e+00, v15  }
0xe0: {  	v17 =	vld.idx.msk [tilespmem:v17+s12+$0x0], $0xffff;
	v16 =	vor.u32 v40, v12  }
0xe1: {  	v28 =	vor.u32 $0x4, v23;
	v13 =	vmul.f32 $8.000000000e+00, v13;
	[tilespmem:s28+$0x190] =	vst v15  }
0xe2: {  	v21 =	vor.u32 v28, v12;
	v15 =	vld.idx.msk [tilespmem:v18+s12+$0x0], $0xffff  }
0xe3: {  	[tilespmem:s28+$0xFFFFFF90] =	vst v13;
	v18 =	vor.u32 v58, v14  }
0xe4: {  	v19 =	vadd.s32 v6, v26;
	v22 =	vor.u32 v23, v12;
	v20 =	vld.idx.msk [tilespmem:v20+s12+$0x0], $0xffff  }
0xe5: {  	v42 =	vor.u32 $0x1, v23;
	v17 =	vmul.f32 $8.000000000e+00, v17;
	v16 =	vld.idx.msk [tilespmem:v16+s12+$0x0], $0xffff;
	v13 =	vor.u32 v24, v19  }
0xe6: {  	v25 =	vor.u32 v42, v12  }
0xe7: {  	v27 =	vor.u32 v57, v19;
	v21 =	vld.idx.msk [tilespmem:v21+s12+$0x0], $0xffff;
	[tilespmem:s28+$0x100] =	vst v17;
	v15 =	vmul.f32 $8.000000000e+00, v15  }
0xe8: {  	v17 =	vor.u32 v40, v14;
	v18 =	vld.idx.msk [tilespmem:v18+s12+$0x0], $0xffff  }
0xe9: {  	v22 =	vld.idx.msk [tilespmem:v22+s12+$0x0], $0xffff;
	v29 =	vmul.f32 $8.000000000e+00, v20;
	[tilespmem:s28+$0x1A0] =	vst v15  }
0xea: {  	v15 =	vmul.f32 $8.000000000e+00, v16;
	v13 =	vld.idx.msk [tilespmem:v13+s12+$0x0], $0xffff  }
0xeb: {  	v39 =	vor.u32 $0x5, v23;
	v30 =	vor.u32 v28, v14;
	v25 =	vld.idx.msk [tilespmem:v25+s12+$0x0], $0xffff;
	[tilespmem:s28+$0xFFFFFFA0] =	vst v29  }
0xec: {  	v12 =	vor.u32 v39, v12;
	v20 =	vadd.s32 v7, v26;
	v27 =	vld.idx.msk [tilespmem:v27+s12+$0x0], $0xffff;
	[tilespmem:s28+$0xFFFFFF00] =	vst v15  }
0xed: {  	v21 =	vmul.f32 $8.000000000e+00, v21;
	v15 =	vld.idx.msk [tilespmem:v17+s12+$0x0], $0xffff;
	v17 =	vmul.f32 $8.000000000e+00, v18;
	v18 =	vor.u32 v24, v20  }
0xee: {  	v16 =	vor.u32 v58, v0  }
0xef: {  	v31 =	vor.u32 v42, v14;
	[tilespmem:s28+$0x0] =	vst v21;
	v13 =	vmul.f32 $8.000000000e+00, v13  }
0xf0: {  	v21 =	vmul.f32 $8.000000000e+00, v22;
	v30 =	vld.idx.msk [tilespmem:v30+s12+$0x0], $0xffff;
	v29 =	vor.u32 v23, v14;
	[tilespmem:s28+$0x110] =	vst v17  }
0xf1: {  	v12 =	vld.idx.msk [tilespmem:v12+s12+$0x0], $0xffff;
	v17 =	vor.u32 v40, v0;
	[tilespmem:s28+$0x1B0] =	vst v13;
	v13 =	vmul.f32 $8.000000000e+00, v25  }
0xf2: {  	v33 =	vor.u32 v39, v14;
	[tilespmem:s28+$0xFFFFFE00] =	vst v21;
	v27 =	vmul.f32 $8.000000000e+00, v27;
	v14 =	vmul.f32 $8.000000000e+00, v15;
	v15 =	vld.idx.msk [tilespmem:v18+s12+$0x0], $0xffff  }
0xf3: {  	v16 =	vld.idx.msk [tilespmem:v16+s12+$0x0], $0xffff;
	[tilespmem:s28+$0xFFFFFE80] =	vst v13  }
0xf4: {  	v25 =	vadd.s32 v8, v26;
	[tilespmem:s28+$0xFFFFFFB0] =	vst v27;
	v31 =	vld.idx.msk [tilespmem:v31+s12+$0x0], $0xffff  }
0xf5: {  	v10 =	vadd.s32 $0x8, v11;
	v30 =	vmul.f32 $8.000000000e+00, v30;
	v27 =	vor.u32 v24, v25;
	v13 =	vld.idx.msk [tilespmem:v29+s12+$0x0], $0xffff;
	[tilespmem:s28+$0xFFFFFF10] =	vst v14  }
0xf6: {  	v11 =	vshll.u32 v10, $0x3;
	v21 =	vor.u32 v58, v19;
	v12 =	vmul.f32 $8.000000000e+00, v12;
	v17 =	vld.idx.msk [tilespmem:v17+s12+$0x0], $0xffff  }
0xf7: {  	v1 =	vand.u32 $0x78, v10;
	[tilespmem:s28+$0x10] =	vst v30;
	v18 =	vor.u32 v42, v0;
	v15 =	vmul.f32 $8.000000000e+00, v15  }
0xf8: {  	v2 =	vand.u32 $0xFFFFFC00, v11;
	v3 =	vor.u32 $0x6, v1;
	[tilespmem:s28+$0x80] =	vst v12;
	v16 =	vmul.f32 $8.000000000e+00, v16  }
0xf9: {  	v22 =	vor.u32 v28, v0;
	v55 =	vld.idx.msk [tilespmem:v33+s12+$0x0], $0xffff;
	v33 =	vadd.s32 v4, v2;
	[tilespmem:s28+$0x1C0] =	vst v15;
	v31 =	vmul.f32 $8.000000000e+00, v31  }
0xfa: {  	v11 =	vor.u32 $0x2, v1;
	v36 =	vor.u32 v3, v33;
	[tilespmem:s28+$0x120] =	vst v16;
	v13 =	vmul.f32 $8.000000000e+00, v13;
	v38 =	vld.idx.msk [tilespmem:v27+s12+$0x0], $0xffff  }
0xfb: {  	v48 =	vor.u32 v11, v33;
	v21 =	vld.idx.msk [tilespmem:v21+s12+$0x0], $0xffff;
	v17 =	vmul.f32 $8.000000000e+00, v17;
	[tilespmem:s28+$0xFFFFFE90] =	vst v31  }
0xfc: {  	v32 =	vor.u32 v57, v20;
	[tilespmem:s28+$0xFFFFFE10] =	vst v13;
	v27 =	vadd.s32 v9, v26;
	v43 =	vld.idx.msk [tilespmem:v18+s12+$0x0], $0xffff  }
0xfd: {  	v14 =	vor.u32 $0x7, v1;
	v18 =	vld [tilespmem:$0x1FF90];
	[tilespmem:s28+$0xFFFFFF20] =	vst v17;
	v17 =	vor.u32 v24, v27  }
0xfe: {  	v22 =	vld.idx.msk [tilespmem:v22+s12+$0x0], $0xffff;
	v37 =	vor.u32 v14, v33  }
0xff: {  	v35 =	vor.u32 v23, v0;
	v36 =	vld.idx.msk [tilespmem:v36+s12+$0x0], $0xffff;
	v16 =	vor.u32 $0x4, v1;
	v38 =	vmul.f32 $8.000000000e+00, v38  }
0x100: {  	v48 =	vld.idx.msk [tilespmem:v48+s12+$0x0], $0xffff;
	v41 =	vor.u32 v16, v33;
	v21 =	vmul.f32 $8.000000000e+00, v21  }
0x101: {  	v30 =	vor.u32 v40, v19;
	v4 =	vor.u32 $0x3, v1;
	v29 =	vld.idx.msk [tilespmem:v32+s12+$0x0], $0xffff;
	[tilespmem:s28+$0x1D0] =	vst v38  }
0x102: {  	v31 =	vor.u32 v4, v33;
	[tilespmem:s28+$0x130] =	vst v21;
	v21 =	vld.idx.msk [tilespmem:v17+s12+$0x0], $0xffff;
	v17 =	vmov v1;
	v1 =	vor.u32 $0x1, v1  }
0x103: {  	v37 =	vld.idx.msk [tilespmem:v37+s12+$0x0], $0xffff;
	v56 =	vor.u32 v1, v33  }
0x104: {  	v46 =	vor.u32 v28, v19;
	v35 =	vld.idx.msk [tilespmem:v35+s12+$0x0], $0xffff  }
0x105: {  	v0 =	vor.u32 v39, v0;
	v41 =	vld.idx.msk [tilespmem:v41+s12+$0x0], $0xffff  }
0x106: {  	v22 =	vmul.f32 $8.000000000e+00, v22;
	v45 =	vor.u32 v58, v20;
	v30 =	vld.idx.msk [tilespmem:v30+s12+$0x0], $0xffff  }
0x107: {  	v49 =	vor.u32 v23, v19;
	v32 =	vmul.f32 $8.000000000e+00, v55;
	v31 =	vld.idx.msk [tilespmem:v31+s12+$0x0], $0xffff;
	v38 =	vadd.s32 v18, v2  }
0x108: {  	[tilespmem:s28+$0x20] =	vst v22;
	v37 =	vmul.f32 $8.000000000e+00, v37;
	v50 =	vor.u32 v14, v38;
	v12 =	vld.idx.msk [tilespmem:v56+s12+$0x0], $0xffff  }
0x109: {  	s30 =	simm.s32 $0x16A00;
	[tilespmem:s28+$0x90] =	vst v32;
	v51 =	vld.idx.msk [tilespmem:v46+s12+$0x0], $0xffff;
	v35 =	vmul.f32 $8.000000000e+00, v35  }
0x10a: {  	v0 =	vld.idx.msk [tilespmem:v0+s12+$0x0], $0xffff;
	[tilespmem:s30+$0x180] =	vst v37;
	v43 =	vmul.f32 $8.000000000e+00, v43  }
0x10b: {  	v60 =	vor.u32 v42, v19;
	v22 =	vld.idx.msk [tilespmem:v45+s12+$0x0], $0xffff;
	[tilespmem:s28+$0xFFFFFE20] =	vst v35  }
0x10c: {  	v52 =	vor.u32 v40, v20;
	v30 =	vmul.f32 $8.000000000e+00, v30;
	v49 =	vld.idx.msk [tilespmem:v49+s12+$0x0], $0xffff;
	[tilespmem:s28+$0xFFFFFEA0] =	vst v43  }
0x10d: {  	v59 =	vor.u32 v4, v38;
	v31 =	vmul.f32 $8.000000000e+00, v31;
	v50 =	vld.idx.msk [tilespmem:v50+s12+$0x0], $0xffff;
	[tilespmem:$0x1FF40] =	vst v12  }
0x10e: {  	v61 =	vor.u32 v28, v20;
	v21 =	vmul.f32 $8.000000000e+00, v21;
	[tilespmem:s28+$0xFFFFFF30] =	vst v30  }
0x10f: {  	v62 =	vor.u32 v58, v25;
	v63 =	vmul.f32 $8.000000000e+00, v51;
	[tilespmem:s30+$0xFFFFFF80] =	vst v31  }
0x110: {  	v22 =	vmul.f32 $8.000000000e+00, v22;
	v56 =	vor.u32 v3, v38;
	[tilespmem:s28+$0x1E0] =	vst v21;
	v32 =	vld.idx.msk [tilespmem:v60+s12+$0x0], $0xffff  }
0x111: {  	v36 =	vmul.f32 $8.000000000e+00, v36;
	v0 =	vmul.f32 $8.000000000e+00, v0;
	v30 =	vor.u32 v23, v20;
	[tilespmem:s28+$0x30] =	vst v63;
	v31 =	vld.idx.msk [tilespmem:v52+s12+$0x0], $0xffff  }
0x112: {  	v12 =	vor.u32 $0x5, v17;
	v21 =	vor.u32 v39, v19;
	v19 =	vmul.f32 $8.000000000e+00, v49;
	[tilespmem:s28+$0x140] =	vst v22;
	v35 =	vld.idx.msk [tilespmem:v59+s12+$0x0], $0xffff  }
0x113: {  	[tilespmem:s28+$0xA0] =	vst v0;
	v0 =	vor.u32 v12, v33;
	v52 =	vadd.s32 v5, v2;
	v37 =	vld.idx.msk [tilespmem:v61+s12+$0x0], $0xffff  }
0x114: {  	v50 =	vmul.f32 $8.000000000e+00, v50;
	[tilespmem:s30+$0x100] =	vst v36;
	v43 =	vld.idx.msk [tilespmem:v62+s12+$0x0], $0xffff;
	v59 =	vor.u32 v14, v52  }
0x115: {  	v48 =	vmul.f32 $8.000000000e+00, v48;
	v22 =	vor.u32 v11, v38;
	v51 =	vld.idx.msk [tilespmem:v56+s12+$0x0], $0xffff;
	[tilespmem:s28+$0xFFFFFE30] =	vst v19  }
0x116: {  	[tilespmem:s30+$0x190] =	vst v50;
	v33 =	vor.u32 v17, v33;
	v19 =	vmov v1;
	v1 =	vor.u32 v12, v52;
	v30 =	vld.idx.msk [tilespmem:v30+s12+$0x0], $0xffff  }
0x117: {  	v41 =	vmul.f32 $8.000000000e+00, v41;
	v60 =	vor.u32 v42, v20;
	v61 =	vld.idx.msk [tilespmem:v21+s12+$0x0], $0xffff;
	[tilespmem:$0x1FEF0] =	vst v1  }
0x118: {  	v53 =	vor.u32 v4, v52;
	v32 =	vmul.f32 $8.000000000e+00, v32;
	[tilespmem:s30+$0xFFFFFF00] =	vst v48;
	v0 =	vld.idx.msk [tilespmem:v0+s12+$0x0], $0xffff  }
0x119: {  	v54 =	vor.u32 v28, v25;
	v55 =	vor.u32 v40, v25;
	v35 =	vmul.f32 $8.000000000e+00, v35;
	[tilespmem:s30+$0x0] =	vst v41;
	v45 =	vld.idx.msk [tilespmem:v59+s12+$0x0], $0xffff  }
0x11a: {  	v36 =	vor.u32 v39, v20;
	v5 =	vor.u32 v17, v38;
	v48 =	vld.idx.msk [tilespmem:v22+s12+$0x0], $0xffff;
	v22 =	vmul.f32 $8.000000000e+00, v37;
	[tilespmem:s28+$0xFFFFFEB0] =	vst v32  }
0x11b: {  	v13 =	vor.u32 v16, v52;
	v56 =	vor.u32 v11, v52;
	v31 =	vmul.f32 $8.000000000e+00, v31;
	v59 =	vld.idx.msk [tilespmem:v33+s12+$0x0], $0xffff;
	[tilespmem:s30+$0xFFFFFF90] =	vst v35  }
0x11c: {  	v15 =	vor.u32 v19, v52;
	v35 =	vor.u32 v23, v25;
	v49 =	vld.idx.msk [tilespmem:v60+s12+$0x0], $0xffff;
	[tilespmem:s28+$0x40] =	vst v22;
	v22 =	vmul.f32 $8.000000000e+00, v43  }
0x11d: {  	v37 =	vor.u32 v3, v52;
	v32 =	vadd.s32 v6, v2;
	[tilespmem:s28+$0xFFFFFF40] =	vst v31;
	v53 =	vld.idx.msk [tilespmem:v53+s12+$0x0], $0xffff;
	v30 =	vmul.f32 $8.000000000e+00, v30  }
0x11e: {  	v6 =	vor.u32 v16, v38;
	v43 =	vor.u32 v14, v32;
	v55 =	vld.idx.msk [tilespmem:v55+s12+$0x0], $0xffff;
	v50 =	vmul.f32 $8.000000000e+00, v61;
	[tilespmem:s28+$0x150] =	vst v22  }
0x11f: {  	v31 =	vor.u32 v12, v38;
	v54 =	vld.idx.msk [tilespmem:v54+s12+$0x0], $0xffff;
	v45 =	vmul.f32 $8.000000000e+00, v45;
	[tilespmem:s28+$0xFFFFFE40] =	vst v30;
	v30 =	vor.u32 v42, v25  }
0x120: {  	[tilespmem:s28+$0xB0] =	vst v50;
	v50 =	vor.u32 v4, v32;
	v62 =	vmul.f32 $8.000000000e+00, v48;
	v22 =	vmovc v14;
	v14 =	vor.u32 v17, v52  }
0x121: {  	v60 =	vld.idx.msk [tilespmem:v35+s12+$0x0], $0xffff;
	v35 =	vor.u32 v19, v38;
	v44 =	vmul.f32 $8.000000000e+00, v49;
	v49 =	vor.u32 v28, v27;
	[tilespmem:s30+$0x1A0] =	vst v45  }
0x122: {  	v48 =	vld.idx.msk [tilespmem:v36+s12+$0x0], $0xffff;
	v52 =	vor.u32 v23, v27;
	v38 =	vor.u32 v57, v27;
	[tilespmem:s30+$0xFFFFFF10] =	vst v62;
	v46 =	vmul.f32 $8.000000000e+00, v53  }
0x123: {  	v45 =	vor.u32 v40, v27;
	v53 =	vor.u32 v58, v27;
	v55 =	vmul.f32 $8.000000000e+00, v55;
	v41 =	vld.idx.msk [tilespmem:v43+s12+$0x0], $0xffff;
	[tilespmem:s28+$0xFFFFFEC0] =	vst v44  }
0x124: {  	v62 =	vor.u32 v42, v27;
	v61 =	vld.idx.msk [tilespmem:v56+s12+$0x0], $0xffff;
	v43 =	vor.u32 v39, v27;
	v27 =	vmul.f32 $8.000000000e+00, v54;
	[tilespmem:s30+$0xFFFFFFA0] =	vst v46  }
0x125: {  	[tilespmem:s28+$0xFFFFFF50] =	vst v55;
	v55 =	vadd.s32 v34, v26;
	v26 =	vmul.f32 $8.000000000e+00, v51;
	v1 =	vld.idx.msk [tilespmem:v30+s12+$0x0], $0xffff  }
0x126: {  	v50 =	vld.idx.msk [tilespmem:v50+s12+$0x0], $0xffff;
	[tilespmem:s28+$0x50] =	vst v27;
	v30 =	vmul.f32 $8.000000000e+00, v60  }
0x127: {  	v21 =	vmov v2;
	v2 =	vor.u32 v39, v25;
	v49 =	vld.idx.msk [tilespmem:v49+s12+$0x0], $0xffff;
	[tilespmem:s30+$0x110] =	vst v26  }
0x128: {  	v47 =	vor.u32 v19, v32;
	v46 =	vld.idx.msk [tilespmem:v45+s12+$0x0], $0xffff;
	[tilespmem:s28+$0xFFFFFE50] =	vst v30  }
0x129: {  	v54 =	vadd.s32 v7, v21;
	v48 =	vmul.f32 $8.000000000e+00, v48;
	v56 =	vld.idx.msk [tilespmem:v52+s12+$0x0], $0xffff;
	[tilespmem:$0x1FF00] =	vst v47;
	v52 =	vor.u32 v12, v32  }
0x12a: {  	v51 =	vor.u32 v22, v54;
	v26 =	vmul.f32 $8.000000000e+00, v41;
	[tilespmem:$0x1FF10] =	vst v52  }
0x12b: {  	v60 =	vor.u32 v24, v55;
	[tilespmem:s28+$0xC0] =	vst v48  }
0x12c: {  	v24 =	vmov v4;
	v4 =	vmul.f32 $8.000000000e+00, v0;
	[tilespmem:s30+$0x1B0] =	vst v26;
	v34 =	vld.idx.msk [tilespmem:v2+s12+$0x0], $0xffff;
	v2 =	vor.u32 v17, v54  }
0x12d: {  	v0 =	vld.idx.msk [tilespmem:v37+s12+$0x0], $0xffff;
	[tilespmem:$0x1FF20] =	vst v2  }
0x12e: {  	v1 =	vmul.f32 $8.000000000e+00, v1;
	v2 =	vor.u32 v19, v54;
	[tilespmem:s30+$0x80] =	vst v4  }
0x12f: {  	v26 =	vmul.f32 $8.000000000e+00, v29;
	v51 =	vld.idx.msk [tilespmem:v51+s12+$0x0], $0xffff;
	[tilespmem:$0x1FF30] =	vst v2  }
0x130: {  	v63 =	vor.u32 v57, v25;
	v33 =	vor.u32 v16, v32;
	v7 =	vmul.f32 $8.000000000e+00, v61;
	[tilespmem:s28+$0xFFFFFED0] =	vst v1  }
0x131: {  	v36 =	vor.u32 v11, v32;
	v27 =	vor.u32 v12, v54;
	v58 =	vor.u32 v58, v55;
	[tilespmem:s28+$0xFFFFFFC0] =	vst v26  }
0x132: {  	v45 =	vor.u32 v3, v32;
	v47 =	vor.u32 v28, v55;
	v48 =	vld.idx.msk [tilespmem:v60+s12+$0x0], $0xffff;
	[tilespmem:s30+$0xFFFFFF20] =	vst v7  }
0x133: {  	v44 =	vor.u32 v24, v54;
	v30 =	vor.u32 v17, v32;
	v41 =	vor.u32 v3, v54;
	v61 =	vld [tilespmem:$0x1FF40]  }
0x134: {  	v32 =	vor.u32 v16, v54;
	v37 =	vor.u32 v11, v54;
	v49 =	vmul.f32 $8.000000000e+00, v49;
	v52 =	vld.idx.msk [tilespmem:v53+s12+$0x0], $0xffff  }
0x135: {  	v54 =	vor.u32 v23, v55;
	v1 =	vmul.f32 $8.000000000e+00, v50;
	v60 =	vor.u32 v39, v55;
	v2 =	vld.idx.msk [tilespmem:v62+s12+$0x0], $0xffff  }
0x136: {  	v26 =	vmovc v12;
	v53 =	vmul.f32 $8.000000000e+00, v46;
	v62 =	vor.u32 v40, v55;
	v40 =	vld.idx.msk [tilespmem:v63+s12+$0x0], $0xffff;
	v34 =	vmul.f32 $8.000000000e+00, v34;
	[tilespmem:s28+$0x60] =	vst v49  }
0x137: {  	v39 =	vadd.s32 v9, v21;
	v46 =	vadd.s32 v8, v21;
	[tilespmem:s30+$0xFFFFFFB0] =	vst v1;
	v1 =	vmul.f32 $8.000000000e+00, v59;
	v47 =	vld.idx.msk [tilespmem:v47+s12+$0x0], $0xffff  }
0x138: {  	v49 =	vor.u32 v22, v39;
	v50 =	vor.u32 v22, v46;
	v12 =	vld.idx.msk [tilespmem:v44+s12+$0x0], $0xffff;
	[tilespmem:s28+$0xD0] =	vst v34;
	v7 =	vmul.f32 $8.000000000e+00, v61  }
0x139: {  	v59 =	vor.u32 v57, v55;
	[tilespmem:s30+$0xFFFFFE00] =	vst v1;
	v61 =	vor.u32 v42, v55;
	v42 =	vld.idx.msk [tilespmem:v6+s12+$0x0], $0xffff  }
0x13a: {  	s26 =	sshll.u32 s25, $0xA;
	s31 =	simm.s32 $0x16A00;
	s0 =	simm.s32 $0x8;
	v23 =	vmovc v3;
	v34 =	vadd.s32 $0x8, v10;
	v44 =	vld.idx.msk [tilespmem:v5+s12+$0x0], $0xffff;
	v55 =	vmul.f32 $8.000000000e+00, v51;
	v51 =	vmul.f32 $8.000000000e+00, v2;
	[tilespmem:s30+$0xFFFFFE80] =	vst v7  }
.LBB2_3:
0x13b: {  	[tilespmem:$0x1FEA0] =	vst v22  }
0x13c: {  	[tilespmem:s28+$0xFFFFFF60] =	vst v53  }
0x13d: {  	v2 =	vld.idx.msk [tilespmem:v35+s12+$0x0], $0xffff;
	[tilespmem:s30+$0x1C0] =	vst v55;
	v55 =	vmul.f32 $8.000000000e+00, v48  }
0x13e: {  	v3 =	vld [tilespmem:$0x1FFA0];
	[tilespmem:s28+$0xFFFFFEE0] =	vst v51;
	v57 =	vmul.f32 $8.000000000e+00, v42  }
0x13f: {  	v1 =	vshll.u32 v34, $0x3;
	v43 =	vld.idx.msk [tilespmem:v43+s12+$0x0], $0xffff;
	[tilespmem:s28+$0x1F0] =	vst v55;
	v7 =	vmul.f32 $8.000000000e+00, v52  }
0x140: {  	v52 =	vand.u32 $0xFFFFFC00, v1;
	v1 =	vld.idx.msk [tilespmem:v31+s12+$0x0], $0xffff;
	v31 =	vmul.f32 $8.000000000e+00, v40;
	[tilespmem:s30+$0x10] =	vst v57  }
0x141: {  	v4 =	vld [tilespmem:$0x1FF80];
	v51 =	vmul.f32 $8.000000000e+00, v47;
	[tilespmem:s28+$0x160] =	vst v7  }
0x142: {  	v63 =	vld.idx.msk [tilespmem:v62+s12+$0x0], $0xffff;
	v0 =	vmul.f32 $8.000000000e+00, v0;
	v40 =	vand.u32 $0x78, v34;
	[tilespmem:s28+$0xFFFFFFD0] =	vst v31  }
0x143: {  	v35 =	vmul.f32 $8.000000000e+00, v56;
	v3 =	vadd.s32 v3, v52;
	v56 =	vor.u32 $0x4, v40;
	v10 =	vld.idx.msk [tilespmem:v13+s12+$0x0], $0xffff;
	[tilespmem:s28+$0x70] =	vst v51  }
0x144: {  	v43 =	vmul.f32 $8.000000000e+00, v43;
	v13 =	vor.u32 v56, v3;
	v6 =	vld.idx.msk [tilespmem:v58+s12+$0x0], $0xffff;
	[tilespmem:s30+$0x120] =	vst v0  }
0x145: {  	v2 =	vmul.f32 $8.000000000e+00, v2;
	v38 =	vld.idx.msk [tilespmem:v38+s12+$0x0], $0xffff;
	[tilespmem:$0x1FEC0] =	vst v13  }
0x146: {  	v31 =	vadd.s32 v4, v52;
	v4 =	vmul.f32 $8.000000000e+00, v44;
	v0 =	vld.idx.msk [tilespmem:v61+s12+$0x0], $0xffff;
	[tilespmem:s28+$0xE0] =	vst v43  }
0x147: {  	v48 =	vor.u32 $0x6, v40;
	[tilespmem:s30+$0xFFFFFE90] =	vst v2;
	v57 =	vld.idx.msk [tilespmem:v45+s12+$0x0], $0xffff  }
0x148: {  	v53 =	vor.u32 $0x7, v40;
	v55 =	vor.u32 v48, v31;
	v13 =	vor.u32 v48, v3;
	[tilespmem:s30+$0xFFFFFE10] =	vst v4;
	v4 =	vld.idx.msk [tilespmem:v50+s12+$0x0], $0xffff  }
0x149: {  	v5 =	vor.u32 v53, v31;
	v50 =	vmul.f32 $8.000000000e+00, v63;
	[tilespmem:$0x1FEB0] =	vst v13;
	v2 =	vld.idx.msk [tilespmem:v60+s12+$0x0], $0xffff  }
0x14a: {  	v44 =	vor.u32 $0x3, v40;
	v8 =	vor.u32 v56, v31;
	v58 =	vmovc v21;
	v21 =	vld.idx.msk [tilespmem:v14+s12+$0x0], $0xffff;
	[tilespmem:s28+$0xFFFFFE60] =	vst v35;
	v22 =	vmul.f32 $8.000000000e+00, v38  }
0x14b: {  	v20 =	vor.u32 v44, v31;
	v25 =	vld.idx.msk [tilespmem:v15+s12+$0x0], $0xffff;
	[tilespmem:s28+$0xFFFFFF70] =	vst v50;
	v38 =	vadd.s32 v18, v52  }
0x14c: {  	v43 =	vmul.f32 $8.000000000e+00, v1;
	v14 =	vmovc v11;
	v11 =	vld.idx.msk [tilespmem:v54+s12+$0x0], $0xffff;
	v0 =	vmul.f32 $8.000000000e+00, v0;
	v1 =	vor.u32 v40, v38;
	[tilespmem:s28+$0xFFFFFFE0] =	vst v22  }
0x14d: {  	[tilespmem:$0x1FEE0] =	vst v1;
	v22 =	vmul.f32 $8.000000000e+00, v57;
	v57 =	vmov v12;
	v12 =	vld.idx.msk [tilespmem:v55+s12+$0x0], $0xffff  }
0x14e: {  	v6 =	vmul.f32 $8.000000000e+00, v6;
	[tilespmem:s28+$0xFFFFFEF0] =	vst v0;
	v0 =	vor.u32 v56, v38;
	v59 =	vld.idx.msk [tilespmem:v59+s12+$0x0], $0xffff  }
0x14f: {  	v47 =	vor.u32 $0x5, v40;
	v2 =	vmul.f32 $8.000000000e+00, v2;
	[tilespmem:$0x1FED0] =	vst v0;
	v0 =	vmul.f32 $8.000000000e+00, v4;
	v4 =	vld.idx.msk [tilespmem:v5+s12+$0x0], $0xffff  }
0x150: {  	v42 =	vor.u32 $0x1, v40;
	v9 =	vor.u32 v47, v3;
	[tilespmem:s28+$0x170] =	vst v6;
	v5 =	vld.idx.msk [tilespmem:v8+s12+$0x0], $0xffff  }
0x151: {  	v51 =	vor.u32 $0x2, v40;
	v7 =	vor.u32 v42, v31;
	v6 =	vmul.f32 $8.000000000e+00, v10;
	v8 =	vld.idx.msk [tilespmem:v20+s12+$0x0], $0xffff;
	[tilespmem:s28+$0xF0] =	vst v2  }
0x152: {  	v62 =	vor.u32 v47, v31;
	v61 =	vor.u32 v40, v31;
	v60 =	vor.u32 v51, v31;
	[tilespmem:s31+$0x130] =	vst v22  }
0x153: {  	v54 =	vor.u32 v26, v46;
	v36 =	vld.idx.msk [tilespmem:v36+s12+$0x0], $0xffff;
	v18 =	vor.u32 v14, v39;
	v11 =	vmul.f32 $8.000000000e+00, v11;
	[tilespmem:s31+$0x20] =	vst v6  }
0x154: {  	v10 =	vmul.f32 $8.000000000e+00, v21;
	v2 =	vor.u32 v53, v38;
	[tilespmem:s31+$0x1D0] =	vst v0;
	v33 =	vld.idx.msk [tilespmem:v33+s12+$0x0], $0xffff;
	v21 =	vmul.f32 $8.000000000e+00, v59  }
0x155: {  	v50 =	vor.u32 v44, v38;
	[tilespmem:s28+$0xFFFFFE70] =	vst v11;
	v59 =	vmul.f32 $8.000000000e+00, v25;
	v4 =	vmul.f32 $8.000000000e+00, v4;
	v25 =	vld [tilespmem:$0x1FEF0]  }
0x156: {  	s30 =	sadd.s32 $0x400, s30;
	v13 =	vor.u32 v48, v38;
	v31 =	vor.u32 v47, v38;
	v22 =	vld.idx.msk [tilespmem:v41+s12+$0x0], $0xffff;
	v8 =	vmul.f32 $8.000000000e+00, v8;
	[tilespmem:s28+$0xFFFFFFF0] =	vst v21  }
0x157: {  	v28 =	vmov v24;
	v35 =	vor.u32 v42, v38;
	v1 =	vor.u32 v51, v38;
	v6 =	vld.idx.msk [tilespmem:v49+s12+$0x0], $0xffff;
	[tilespmem:s30+$0x180] =	vst v4  }
0x158: {  	v55 =	vor.u32 v24, v46;
	v24 =	vmov v17;
	v20 =	vor.u32 v23, v46;
	v11 =	vld.idx.msk [tilespmem:v60+s12+$0x0], $0xffff;
	s28 =	smov.u32 s31;
	[tilespmem:s30+$0xFFFFFF80] =	vst v8  }
0x159: {  	v38 =	vor.u32 v28, v39;
	v0 =	vor.u32 v19, v46;
	v8 =	vmul.f32 $8.000000000e+00, v33;
	[tilespmem:s28+$0xFFFFFE20] =	vst v10;
	v2 =	vld.idx.msk [tilespmem:v2+s12+$0x0], $0xffff  }
0x15a: {  	v60 =	vor.u32 v16, v39;
	v41 =	vor.u32 v24, v39;
	[tilespmem:s28+$0x90] =	vst v43;
	v10 =	vld.idx.msk [tilespmem:v30+s12+$0x0], $0xffff  }
0x15b: {  	v49 =	vor.u32 v23, v39;
	v43 =	vmul.f32 $8.000000000e+00, v36;
	v36 =	vmov v9;
	v9 =	vld.idx.msk [tilespmem:v50+s12+$0x0], $0xffff;
	[tilespmem:s28+$0x30] =	vst v8  }
0x15c: {  	v21 =	vor.u32 v17, v46;
	v17 =	vor.u32 v16, v46;
	[tilespmem:s28+$0xFFFFFEA0] =	vst v59;
	v8 =	vld.idx.msk [tilespmem:v32+s12+$0x0], $0xffff  }
0x15d: {  	v59 =	vor.u32 v19, v39;
	[tilespmem:s28+$0xFFFFFF30] =	vst v43;
	v43 =	vor.u32 v26, v39;
	v30 =	vld.idx.msk [tilespmem:v25+s12+$0x0], $0xffff  }
0x15e: {  	v39 =	vmul.f32 $8.000000000e+00, v12;
	v12 =	vmul.f32 $8.000000000e+00, v22;
	v25 =	vmovc v23;
	v23 =	vor.u32 v14, v46;
	v46 =	vld.idx.msk [tilespmem:v7+s12+$0x0], $0xffff  }
0x15f: {  	[tilespmem:$0x1FEF0] =	vst v36;
	v36 =	vmul.f32 $8.000000000e+00, v10;
	v10 =	vld [tilespmem:$0x1FF00]  }
0x160: {  	[tilespmem:s28+$0x140] =	vst v12;
	v7 =	vld.idx.msk [tilespmem:v37+s12+$0x0], $0xffff  }
0x161: {  	v11 =	vmul.f32 $8.000000000e+00, v11;
	v12 =	vld.idx.msk [tilespmem:v20+s12+$0x0], $0xffff  }
0x162: {  	v2 =	vmul.f32 $8.000000000e+00, v2;
	[tilespmem:s30+$0x100] =	vst v39;
	v39 =	vld [tilespmem:$0x1FF20]  }
0x163: {  	v63 =	vor.u32 v53, v3;
	[tilespmem:s30+$0xFFFFFF00] =	vst v11;
	v11 =	vld [tilespmem:$0x1FF30]  }
0x164: {  	v45 =	vor.u32 v44, v3;
	v4 =	vmul.f32 $8.000000000e+00, v6;
	[tilespmem:s30+$0x190] =	vst v2;
	v2 =	vld [tilespmem:$0x1FF10]  }
0x165: {  	v50 =	vmul.f32 $8.000000000e+00, v9;
	v13 =	vld.idx.msk [tilespmem:v13+s12+$0x0], $0xffff  }
0x166: {  	[tilespmem:s28+$0x1E0] =	vst v4;
	v1 =	vld.idx.msk [tilespmem:v1+s12+$0x0], $0xffff  }
0x167: {  	[tilespmem:s30+$0xFFFFFF90] =	vst v50;
	v32 =	vmul.f32 $8.000000000e+00, v8;
	v10 =	vld.idx.msk [tilespmem:v10+s12+$0x0], $0xffff  }
0x168: {  	[tilespmem:s28+$0xFFFFFE30] =	vst v36;
	v9 =	vld.idx.msk [tilespmem:v63+s12+$0x0], $0xffff;
	v7 =	vmul.f32 $8.000000000e+00, v7  }
0x169: {  	v8 =	vld.idx.msk [tilespmem:v45+s12+$0x0], $0xffff;
	[tilespmem:s28+$0x40] =	vst v32;
	v37 =	vmul.f32 $8.000000000e+00, v30  }
0x16a: {  	[tilespmem:s28+$0xFFFFFF40] =	vst v7;
	v7 =	vld.idx.msk [tilespmem:v17+s12+$0x0], $0xffff  }
0x16b: {  	[tilespmem:s28+$0xA0] =	vst v37;
	v6 =	vld.idx.msk [tilespmem:v39+s12+$0x0], $0xffff  }
0x16c: {  	v29 =	vor.u32 v40, v3;
	v2 =	vld.idx.msk [tilespmem:v2+s12+$0x0], $0xffff;
	v10 =	vmul.f32 $8.000000000e+00, v10  }
0x16d: {  	v15 =	vor.u32 v42, v3;
	v3 =	vor.u32 v51, v3;
	v33 =	vmul.f32 $8.000000000e+00, v12;
	v17 =	vld.idx.msk [tilespmem:v23+s12+$0x0], $0xffff  }
0x16e: {  	v1 =	vmul.f32 $8.000000000e+00, v1;
	[tilespmem:s28+$0xFFFFFEB0] =	vst v10;
	v10 =	vld [tilespmem:$0x1FFB0]  }
0x16f: {  	v13 =	vmul.f32 $8.000000000e+00, v13;
	[tilespmem:s28+$0x150] =	vst v33;
	v50 =	vld.idx.msk [tilespmem:v62+s12+$0x0], $0xffff  }
0x170: {  	[tilespmem:s30+$0xFFFFFF10] =	vst v1;
	v1 =	vmul.f32 $8.000000000e+00, v8;
	v8 =	vld [tilespmem:$0x1FFF0];
	v6 =	vmul.f32 $8.000000000e+00, v6  }
0x171: {  	[tilespmem:s30+$0x110] =	vst v13;
	v2 =	vmul.f32 $8.000000000e+00, v2;
	v11 =	vld.idx.msk [tilespmem:v11+s12+$0x0], $0xffff  }
0x172: {  	v3 =	vld.idx.msk [tilespmem:v3+s12+$0x0], $0xffff;
	[tilespmem:s28+$0xFFFFFE40] =	vst v6  }
0x173: {  	v9 =	vmul.f32 $8.000000000e+00, v9;
	v32 =	vld.idx.msk [tilespmem:v21+s12+$0x0], $0xffff;
	v21 =	vmov v52;
	[tilespmem:s28+$0xB0] =	vst v2;
	v10 =	vadd.s32 v10, v52  }
0x174: {  	v2 =	vld.idx.msk [tilespmem:v27+s12+$0x0], $0xffff;
	v12 =	vor.u32 v44, v10;
	v20 =	vor.u32 v53, v10;
	v36 =	vor.u32 v51, v10  }
0x175: {  	v52 =	vld.idx.msk [tilespmem:v49+s12+$0x0], $0xffff;
	v45 =	vor.u32 v48, v10;
	v30 =	vor.u32 v40, v10;
	v33 =	vor.u32 v56, v10  }
0x176: {  	[tilespmem:s30+$0x1A0] =	vst v9;
	v62 =	vor.u32 v42, v10;
	v63 =	vor.u32 v47, v10;
	v9 =	vmul.f32 $8.000000000e+00, v11;
	v10 =	vld.idx.msk [tilespmem:v61+s12+$0x0], $0xffff  }
0x177: {  	v11 =	vld [tilespmem:$0x1FEA0];
	[tilespmem:$0x1FF10] =	vst v63  }
0x178: {  	v5 =	vmul.f32 $8.000000000e+00, v5;
	v63 =	vld [tilespmem:$0x1FFD0];
	[tilespmem:s28+$0xFFFFFEC0] =	vst v9  }
0x179: {  	[tilespmem:s30+$0xFFFFFFA0] =	vst v1;
	v8 =	vadd.s32 v8, v58;
	v9 =	vmul.f32 $8.000000000e+00, v17;
	v1 =	vld.idx.msk [tilespmem:v0+s12+$0x0], $0xffff  }
0x17a: {  	[tilespmem:s30+$0x0] =	vst v5;
	v0 =	vmul.f32 $8.000000000e+00, v7;
	v7 =	vor.u32 v16, v8;
	v16 =	vld [tilespmem:$0x1FFC0]  }
0x17b: {  	v2 =	vmul.f32 $8.000000000e+00, v2;
	[tilespmem:s28+$0xFFFFFF50] =	vst v9;
	v37 =	vld.idx.msk [tilespmem:v20+s12+$0x0], $0xffff  }
0x17c: {  	[tilespmem:$0x1FF00] =	vst v62;
	v18 =	vld.idx.msk [tilespmem:v18+s12+$0x0], $0xffff  }
0x17d: {  	v6 =	vmul.f32 $8.000000000e+00, v32;
	[tilespmem:s28+$0xC0] =	vst v2;
	v12 =	vld.idx.msk [tilespmem:v12+s12+$0x0], $0xffff  }
0x17e: {  	v2 =	vld.idx.msk [tilespmem:v54+s12+$0x0], $0xffff;
	[tilespmem:s28+$0x50] =	vst v0  }
0x17f: {  	[tilespmem:s28+$0xFFFFFE50] =	vst v6;
	v6 =	vld.idx.msk [tilespmem:v60+s12+$0x0], $0xffff;
	v17 =	vadd.s32 v16, v21  }
0x180: {  	v11 =	vor.u32 v11, v8;
	v16 =	vmovc v56;
	v56 =	vld.idx.msk [tilespmem:v41+s12+$0x0], $0xffff;
	v1 =	vmul.f32 $8.000000000e+00, v1;
	v0 =	vor.u32 v40, v17  }
0x181: {  	v22 =	vmov v53;
	[tilespmem:$0x1FF20] =	vst v0;
	v5 =	vmul.f32 $8.000000000e+00, v37;
	v53 =	vmul.f32 $8.000000000e+00, v18;
	v18 =	vld [tilespmem:$0x1FF90]  }
0x182: {  	v0 =	vor.u32 v42, v17;
	v39 =	vmul.f32 $8.000000000e+00, v12;
	v12 =	vmul.f32 $8.000000000e+00, v57;
	[tilespmem:s28+$0xFFFFFED0] =	vst v1;
	v57 =	vld [tilespmem:$0x1FEE0]  }
0x183: {  	v13 =	vmul.f32 $8.000000000e+00, v46;
	[tilespmem:$0x1FF30] =	vst v0;
	v0 =	vld [tilespmem:$0x1FEB0]  }
0x184: {  	v58 =	vor.u32 v25, v8;
	v1 =	vld.idx.msk [tilespmem:v59+s12+$0x0], $0xffff;
	[tilespmem:s30+$0x1B0] =	vst v5  }
0x185: {  	v23 =	vmov v48;
	v20 =	vor.u32 v22, v17;
	v41 =	vor.u32 v48, v17;
	[tilespmem:s30+$0xFFFFFE80] =	vst v13;
	v48 =	vld.idx.msk [tilespmem:v11+s12+$0x0], $0xffff  }
0x186: {  	v9 =	vor.u32 v44, v17;
	v37 =	vor.u32 v51, v17;
	[tilespmem:s28+$0xFFFFFFC0] =	vst v12;
	v11 =	vmov v51;
	v51 =	vld [tilespmem:$0x1FED0]  }
0x187: {  	v61 =	vor.u32 v19, v8;
	v62 =	vor.u32 v14, v8;
	v54 =	vor.u32 v24, v8;
	v13 =	vld [tilespmem:$0x1FEC0];
	[tilespmem:s30+$0xFFFFFFB0] =	vst v39  }
0x188: {  	v4 =	vmul.f32 $8.000000000e+00, v50;
	v32 =	vor.u32 v16, v17;
	v27 =	vor.u32 v47, v17;
	v17 =	vmovc v40;
	v40 =	vld.idx.msk [tilespmem:v55+s12+$0x0], $0xffff  }
0x189: {  	s0 =	sadd.s32 $0x8, s0;
	v60 =	vor.u32 v26, v8;
	v59 =	vor.u32 v28, v8;
	v8 =	vmul.f32 $8.000000000e+00, v10;
	v55 =	vld [tilespmem:$0x1FFE0]  }
0x18a: {  	p1 =	slt.u32 s0, $0x38;
	v3 =	vmul.f32 $8.000000000e+00, v3;
	[tilespmem:s30+$0x80] =	vst v4;
	v4 =	vld.idx.msk [tilespmem:v20+s12+$0x0], $0xffff  }
.Ltmp4:
0x18b: {  	[tilespmem:s30+$0xFFFFFE00] =	vst v8;
	v12 =	vld.idx.msk [tilespmem:v9+s12+$0x0], $0xffff;
	(pc) =	sbr.rel @p1 .LBB2_3-.Ltmp4, $4  }
0x18c: {  	v24 =	vmov v44;
	[tilespmem:s30+$0xFFFFFF20] =	vst v3;
	v3 =	vmul.f32 $8.000000000e+00, v6;
	v44 =	vld.idx.msk [tilespmem:v57+s12+$0x0], $0xffff  }
0x18d: {  	v34 =	vadd.s32 $0x8, v34;
	v19 =	vmovc v42;
	v46 =	vadd.s32 v63, v21;
	v2 =	vmul.f32 $8.000000000e+00, v2;
	v0 =	vld.idx.msk [tilespmem:v0+s12+$0x0], $0xffff  }
0x18e: {  	v14 =	vmov v29;
	v50 =	vor.u32 v22, v46;
	v39 =	vadd.s32 v55, v21;
	v42 =	vld.idx.msk [tilespmem:v51+s12+$0x0], $0xffff;
	[tilespmem:s28+$0x60] =	vst v3  }
0x18f: {  	s31 =	smov.u32 s30;
	v26 =	vmovc v47;
	[tilespmem:s28+$0xD0] =	vst v2;
	v55 =	vmul.f32 $8.000000000e+00, v4;
	v49 =	vor.u32 v22, v39;
	v51 =	vmul.f32 $8.000000000e+00, v1;
	v47 =	vld.idx.msk [tilespmem:v7+s12+$0x0], $0xffff  }
0x190: {  	_ = 	snop  }
0x191: {  	[tilespmem:s28+$0xFFFFFF60] =	vst v53  }
0x192: {  	v1 =	vmul.f32 $8.000000000e+00, v52;
	[tilespmem:s30+$0x1C0] =	vst v55  }
0x193: {  	v2 =	vmul.f32 $8.000000000e+00, v40;
	[tilespmem:s28+$0xFFFFFEE0] =	vst v51  }
0x194: {  	v3 =	vld.idx.msk [tilespmem:v35+s12+$0x0], $0xffff;
	v4 =	vmul.f32 $8.000000000e+00, v48;
	[tilespmem:s28+$0x160] =	vst v1  }
0x195: {  	v40 =	vld.idx.msk [tilespmem:v31+s12+$0x0], $0xffff;
	v52 =	vmul.f32 $8.000000000e+00, v44;
	[tilespmem:s28+$0xFFFFFFD0] =	vst v2  }
0x196: {  	v48 =	vld.idx.msk [tilespmem:v43+s12+$0x0], $0xffff;
	v0 =	vmul.f32 $8.000000000e+00, v0;
	[tilespmem:s28+$0x1F0] =	vst v4  }
0x197: {  	v42 =	vmul.f32 $8.000000000e+00, v42;
	[tilespmem:s30+$0xFFFFFE10] =	vst v52  }
0x198: {  	[tilespmem:s30+$0x120] =	vst v0;
	v51 =	vmul.f32 $8.000000000e+00, v47  }
0x199: {  	v3 =	vmul.f32 $8.000000000e+00, v3;
	[tilespmem:s30+$0x10] =	vst v42  }
0x19a: {  	v1 =	vmul.f32 $8.000000000e+00, v40;
	[tilespmem:s28+$0x70] =	vst v51  }
0x19b: {  	v55 =	vmul.f32 $8.000000000e+00, v48;
	[tilespmem:s30+$0xFFFFFE90] =	vst v3  }
0x19c: {  	[tilespmem:s31+$0x90] =	vst v1  }
0x19d: {  	v53 =	vld.idx.msk [tilespmem:v62+s12+$0x0], $0xffff;
	[tilespmem:s28+$0xE0] =	vst v55  }
0x19e: {  	v3 =	vld [tilespmem:$0x1FEF0]  }
0x19f: {  	v61 =	vld.idx.msk [tilespmem:v61+s12+$0x0], $0xffff  }
0x1a0: {  	v5 =	vld.idx.msk [tilespmem:v38+s12+$0x0], $0xffff  }
0x1a1: {  	v6 =	vld.idx.msk [tilespmem:v13+s12+$0x0], $0xffff  }
0x1a2: {  	v62 =	vmul.f32 $8.000000000e+00, v56;
	v57 =	vld.idx.msk [tilespmem:v15+s12+$0x0], $0xffff  }
0x1a3: {  	v0 =	vmul.f32 $8.000000000e+00, v53  }
0x1a4: {  	v4 =	vmul.f32 $8.000000000e+00, v61;
	[tilespmem:s28+$0xFFFFFE60] =	vst v62  }
0x1a5: {  	v7 =	vld.idx.msk [tilespmem:v45+s12+$0x0], $0xffff;
	v5 =	vmul.f32 $8.000000000e+00, v5;
	[tilespmem:s28+$0xFFFFFF70] =	vst v0  }
0x1a6: {  	[tilespmem:s28+$0xFFFFFEF0] =	vst v4;
	v63 =	vmul.f32 $8.000000000e+00, v6;
	v3 =	vld.idx.msk [tilespmem:v3+s12+$0x0], $0xffff  }
0x1a7: {  	[tilespmem:s28+$0xFFFFFFE0] =	vst v5;
	v2 =	vmul.f32 $8.000000000e+00, v57  }
0x1a8: {  	[tilespmem:s31+$0x20] =	vst v63  }
0x1a9: {  	[tilespmem:s31+$0xFFFFFEA0] =	vst v2  }
0x1aa: {  	v25 =	vmul.f32 $8.000000000e+00, v7;
	v4 =	vld [tilespmem:$0x1FF00]  }
0x1ab: {  	v15 =	vmul.f32 $8.000000000e+00, v3  }
0x1ac: {  	v9 =	vld.idx.msk [tilespmem:v14+s12+$0x0], $0xffff;
	[tilespmem:s31+$0x130] =	vst v25  }
0x1ad: {  	v10 =	vld.idx.msk [tilespmem:v58+s12+$0x0], $0xffff;
	[tilespmem:s31+$0xA0] =	vst v15  }
0x1ae: {  	v2 =	vld [tilespmem:$0x1FF10]  }
0x1af: {  	v13 =	vld.idx.msk [tilespmem:v33+s12+$0x0], $0xffff  }
0x1b0: {  	v14 =	vld.idx.msk [tilespmem:v36+s12+$0x0], $0xffff  }
0x1b1: {  	v28 =	vld.idx.msk [tilespmem:v50+s12+$0x0], $0xffff;
	v6 =	vmul.f32 $8.000000000e+00, v9  }
0x1b2: {  	v4 =	vld.idx.msk [tilespmem:v4+s12+$0x0], $0xffff  }
0x1b3: {  	v1 =	vmul.f32 $8.000000000e+00, v10;
	v29 =	vld.idx.msk [tilespmem:v60+s12+$0x0], $0xffff;
	[tilespmem:s31+$0xFFFFFE20] =	vst v6  }
0x1b4: {  	v0 =	vmul.f32 $8.000000000e+00, v13;
	v31 =	vld.idx.msk [tilespmem:v30+s12+$0x0], $0xffff  }
0x1b5: {  	v5 =	vmul.f32 $8.000000000e+00, v14;
	v33 =	vld.idx.msk [tilespmem:v59+s12+$0x0], $0xffff;
	[tilespmem:s28+$0x170] =	vst v1  }
0x1b6: {  	v35 =	vmul.f32 $8.000000000e+00, v28;
	[tilespmem:s31+$0x30] =	vst v0;
	v2 =	vld.idx.msk [tilespmem:v2+s12+$0x0], $0xffff  }
0x1b7: {  	[tilespmem:s31+$0xFFFFFF30] =	vst v5;
	v34 =	vmul.f32 $8.000000000e+00, v4  }
0x1b8: {  	v40 =	vmul.f32 $8.000000000e+00, v29;
	[tilespmem:s31+$0x1D0] =	vst v35  }
0x1b9: {  	v1 =	vmul.f32 $8.000000000e+00, v31;
	[tilespmem:s31+$0xFFFFFEB0] =	vst v34  }
0x1ba: {  	v44 =	vmul.f32 $8.000000000e+00, v33;
	v42 =	vld [tilespmem:$0x1FF30];
	[tilespmem:s28+$0xF0] =	vst v40  }
0x1bb: {  	[tilespmem:s31+$0xFFFFFE30] =	vst v1;
	v38 =	vmul.f32 $8.000000000e+00, v2  }
0x1bc: {  	v36 =	vld.idx.msk [tilespmem:v32+s12+$0x0], $0xffff;
	[tilespmem:s28+$0xFFFFFFF0] =	vst v44  }
0x1bd: {  	v37 =	vld.idx.msk [tilespmem:v37+s12+$0x0], $0xffff;
	[tilespmem:s31+$0xB0] =	vst v38  }
0x1be: {  	v0 =	vld [tilespmem:$0x1FF20]  }
0x1bf: {  	v8 =	vor.u32 v16, v46;
	v43 =	vld.idx.msk [tilespmem:v41+s12+$0x0], $0xffff  }
0x1c0: {  	v45 =	vor.u32 v11, v46  }
0x1c1: {  	v10 =	vld.idx.msk [tilespmem:v54+s12+$0x0], $0xffff;
	v48 =	vmul.f32 $8.000000000e+00, v36  }
0x1c2: {  	v7 =	vmul.f32 $8.000000000e+00, v37;
	v3 =	vld.idx.msk [tilespmem:v42+s12+$0x0], $0xffff  }
0x1c3: {  	v47 =	vld.idx.msk [tilespmem:v27+s12+$0x0], $0xffff;
	[tilespmem:s31+$0x40] =	vst v48  }
0x1c4: {  	v4 =	vmul.f32 $8.000000000e+00, v43;
	[tilespmem:s31+$0xFFFFFF40] =	vst v7;
	v56 =	vld.idx.msk [tilespmem:v8+s12+$0x0], $0xffff  }
0x1c5: {  	v60 =	vmul.f32 $8.000000000e+00, v12;
	v2 =	vld.idx.msk [tilespmem:v45+s12+$0x0], $0xffff  }
0x1c6: {  	v50 =	vor.u32 v23, v46;
	v62 =	vmul.f32 $8.000000000e+00, v10;
	[tilespmem:s31+$0x140] =	vst v4;
	v0 =	vld.idx.msk [tilespmem:v0+s12+$0x0], $0xffff  }
0x1c7: {  	v9 =	vor.u32 v19, v46;
	[tilespmem:s31+$0xFFFFFFC0] =	vst v60;
	v54 =	vmul.f32 $8.000000000e+00, v3  }
0x1c8: {  	v53 =	vor.u32 v26, v46;
	[tilespmem:s28+$0xFFFFFE70] =	vst v62;
	v58 =	vmul.f32 $8.000000000e+00, v47  }
0x1c9: {  	v27 =	vmul.f32 $8.000000000e+00, v56;
	[tilespmem:s31+$0xFFFFFEC0] =	vst v54  }
0x1ca: {  	v55 =	vor.u32 v24, v46;
	v2 =	vmul.f32 $8.000000000e+00, v2;
	[tilespmem:s31+$0xC0] =	vst v58  }
0x1cb: {  	v57 =	vor.u32 v17, v46;
	v5 =	vld.idx.msk [tilespmem:v50+s12+$0x0], $0xffff;
	[tilespmem:s31+$0x50] =	vst v27;
	v0 =	vmul.f32 $8.000000000e+00, v0  }
0x1cc: {  	v59 =	vld.idx.msk [tilespmem:v9+s12+$0x0], $0xffff;
	[tilespmem:s31+$0xFFFFFF50] =	vst v2  }
0x1cd: {  	v61 =	vor.u32 v16, v39;
	v51 =	vmov v11;
	v11 =	vld.idx.msk [tilespmem:v53+s12+$0x0], $0xffff;
	[tilespmem:s31+$0xFFFFFE40] =	vst v0  }
0x1ce: {  	v63 =	vor.u32 v51, v39;
	v36 =	vld [tilespmem:$0x1FFF0]  }
0x1cf: {  	v25 =	vor.u32 v19, v39;
	v3 =	vld.idx.msk [tilespmem:v55+s12+$0x0], $0xffff  }
0x1d0: {  	v28 =	vor.u32 v23, v39;
	v29 =	vld.idx.msk [tilespmem:v57+s12+$0x0], $0xffff  }
0x1d1: {  	v30 =	vld.idx.msk [tilespmem:v49+s12+$0x0], $0xffff;
	v31 =	vor.u32 v26, v39;
	v32 =	vmul.f32 $8.000000000e+00, v59  }
0x1d2: {  	v33 =	vor.u32 v24, v39;
	v5 =	vmul.f32 $8.000000000e+00, v5;
	v34 =	vld.idx.msk [tilespmem:v61+s12+$0x0], $0xffff  }
0x1d3: {  	v35 =	vor.u32 v17, v39;
	v10 =	vld.idx.msk [tilespmem:v63+s12+$0x0], $0xffff;
	v37 =	vmul.f32 $8.000000000e+00, v11;
	[tilespmem:s31+$0xFFFFFED0] =	vst v32;
	v13 =	vadd.s32 v36, v21  }
0x1d4: {  	v3 =	vmul.f32 $8.000000000e+00, v3;
	[tilespmem:s31+$0x150] =	vst v5;
	v6 =	vld.idx.msk [tilespmem:v25+s12+$0x0], $0xffff;
	v38 =	vor.u32 v22, v13  }
0x1d5: {  	[tilespmem:s31+$0xD0] =	vst v37;
	v1 =	vld.idx.msk [tilespmem:v28+s12+$0x0], $0xffff;
	v7 =	vmul.f32 $8.000000000e+00, v29;
	v39 =	vor.u32 v16, v13  }
0x1d6: {  	v40 =	vmul.f32 $8.000000000e+00, v30;
	[tilespmem:s31+$0xFFFFFFD0] =	vst v3;
	v12 =	vld.idx.msk [tilespmem:v31+s12+$0x0], $0xffff;
	v41 =	vor.u32 v51, v13  }
0x1d7: {  	v2 =	vmul.f32 $8.000000000e+00, v34;
	v4 =	vld.idx.msk [tilespmem:v33+s12+$0x0], $0xffff;
	v42 =	vor.u32 v19, v13;
	[tilespmem:s31+$0xFFFFFE50] =	vst v7  }
0x1d8: {  	v45 =	vmul.f32 $8.000000000e+00, v10;
	[tilespmem:s31+$0x1E0] =	vst v40;
	v44 =	vor.u32 v23, v13;
	v43 =	vld.idx.msk [tilespmem:v35+s12+$0x0], $0xffff  }
0x1d9: {  	[tilespmem:s31+$0x60] =	vst v2;
	v46 =	vor.u32 v26, v13;
	v47 =	vmul.f32 $8.000000000e+00, v6;
	v5 =	vld.idx.msk [tilespmem:v38+s12+$0x0], $0xffff  }
0x1da: {  	[tilespmem:s31+$0xFFFFFF60] =	vst v45;
	v48 =	vor.u32 v24, v13;
	v1 =	vmul.f32 $8.000000000e+00, v1;
	v11 =	vld.idx.msk [tilespmem:v39+s12+$0x0], $0xffff  }
0x1db: {  	v49 =	vor.u32 v17, v13;
	v50 =	vmul.f32 $8.000000000e+00, v12;
	[tilespmem:s31+$0xFFFFFEE0] =	vst v47;
	v8 =	vld.idx.msk [tilespmem:v41+s12+$0x0], $0xffff  }
0x1dc: {  	v52 =	vmul.f32 $8.000000000e+00, v4;
	[tilespmem:s31+$0x160] =	vst v1;
	v51 =	vld.idx.msk [tilespmem:v42+s12+$0x0], $0xffff  }
0x1dd: {  	[tilespmem:s31+$0xE0] =	vst v50;
	v53 =	vld.idx.msk [tilespmem:v44+s12+$0x0], $0xffff;
	v0 =	vmul.f32 $8.000000000e+00, v43  }
0x1de: {  	[tilespmem:s31+$0xFFFFFFE0] =	vst v52;
	v56 =	vld.idx.msk [tilespmem:v46+s12+$0x0], $0xffff;
	v54 =	vmul.f32 $8.000000000e+00, v5  }
0x1df: {  	v58 =	vld.idx.msk [tilespmem:v48+s12+$0x0], $0xffff;
	[tilespmem:s31+$0xFFFFFE60] =	vst v0;
	v57 =	vmul.f32 $8.000000000e+00, v11  }
0x1e0: {  	v59 =	vmul.f32 $8.000000000e+00, v8;
	v60 =	vld.idx.msk [tilespmem:v49+s12+$0x0], $0xffff;
	[tilespmem:s31+$0x1F0] =	vst v54  }
0x1e1: {  	v1 =	vmul.f32 $8.000000000e+00, v51;
	[tilespmem:s31+$0x70] =	vst v57  }
0x1e2: {  	p1 =	seq.s32 s25, $0x63;
	v61 =	vmul.f32 $8.000000000e+00, v53;
	[tilespmem:s31+$0xFFFFFF70] =	vst v59  }
.Ltmp5:
0x1e3: {  	v62 =	vmul.f32 $8.000000000e+00, v56;
	[tilespmem:s31+$0xFFFFFEF0] =	vst v1;
	(pc) =	sbr.rel @p1 .LBB2_6-.Ltmp5, $4  }
0x1e4: {  	v0 =	vmul.f32 $8.000000000e+00, v58;
	[tilespmem:s31+$0x170] =	vst v61  }
0x1e5: {  	[tilespmem:s31+$0xF0] =	vst v62;
	v63 =	vmul.f32 $8.000000000e+00, v60  }
0x1e6: {  	[tilespmem:s31+$0xFFFFFFF0] =	vst v0  }
0x1e7: {  	v55 =	vmov v36;
	[tilespmem:s31+$0xFFFFFE70] =	vst v63  }
0x1e8: {  	s0 =	sshrl.u32 s26, $0x2;
	v2 =	vld [tilespmem:$0x1FF50]  }
0x1e9: {  	v0 =	vld [tilespmem:s0+$0x100]  }
0x1ea: {  	v3 =	vld [tilespmem:$0x1FF60]  }
0x1eb: {  	v4 =	vld [tilespmem:$0x1FF70];
	_ =	sdelay $0x2  }
0x1ec: {  	v1 =	vperm.xlane v0, v2;
	_ =	sdelay $0x1  }
0x1ed: {  	v0 =	vperm.xlane v0, v4;
	v1 =	vadd.s32 v3, v1;
	_ =	sdelay $0x1  }
0x1ee: {  	v0 =	vadd.s32 v3, v0;
	_ =	sdelay $0x2  }
0x1ef: {  	[tilespmem:s12], [sflag:$0x1] =	stream.indirect_vreg.gather [hbm4b:s5+s2], $0x80, v1, vm0, $0xb8;
	[tilespmem:$0x1A400] =	vst v63  }
0x1f0: {  	s3 =	simm.s32 $0x6C00  }
0x1f1: {  	[tilespmem:s3], [sflag:$0x1] =	stream.indirect_vreg.gather [hbm4b:s5+s2], $0x80, v0, vm0, $0xb8;
	[tilespmem:$0x1A400] =	vst v63  }
0x1f2: {  	v0 =	vld [tilespmem:s0+$0x110];
	_ =	sdelay $0x4  }
0x1f3: {  	v57 =	vperm.xlane v0, v2;
	_ =	sdelay $0x1  }
0x1f4: {  	v0 =	vperm.xlane v0, v4;
	v1 =	vadd.s32 v3, v57;
	_ =	sdelay $0x1  }
0x1f5: {  	v0 =	vadd.s32 v3, v0;
	_ =	sdelay $0x1  }
0x1f6: {  	s30 =	simm.s32 $0x7400  }
0x1f7: {  	[tilespmem:s30], [sflag:$0x1] =	stream.indirect_vreg.gather [hbm4b:s5+s2], $0x80, v1, vm0, $0xb8;
	[tilespmem:$0x1A400] =	vst v63  }
0x1f8: {  	s31 =	simm.s32 $0x7C00  }
0x1f9: {  	[tilespmem:s31], [sflag:$0x1] =	stream.indirect_vreg.gather [hbm4b:s5+s2], $0x80, v0, vm0, $0xb8;
	[tilespmem:$0x1A400] =	vst v63  }
0x1fa: {  	v0 =	vld [tilespmem:s0+$0x120];
	_ =	sdelay $0x4  }
0x1fb: {  	v58 =	vperm.xlane v0, v2;
	_ =	sdelay $0x1  }
0x1fc: {  	v0 =	vperm.xlane v0, v4;
	v1 =	vadd.s32 v3, v58;
	_ =	sdelay $0x1  }
0x1fd: {  	v0 =	vadd.s32 v3, v0;
	_ =	sdelay $0x1  }
0x1fe: {  	s28 =	simm.s32 $0x8400  }
0x1ff: {  	[tilespmem:s28], [sflag:$0x1] =	stream.indirect_vreg.gather [hbm4b:s5+s2], $0x80, v1, vm0, $0xb8;
	[tilespmem:$0x1A400] =	vst v63  }
0x200: {  	s30 =	simm.s32 $0x8C00  }
0x201: {  	[tilespmem:s30], [sflag:$0x1] =	stream.indirect_vreg.gather [hbm4b:s5+s2], $0x80, v0, vm0, $0xb8;
	[tilespmem:$0x1A400] =	vst v63  }
0x202: {  	v0 =	vld [tilespmem:s0+$0x130];
	_ =	sdelay $0x4  }
0x203: {  	v59 =	vperm.xlane v0, v2;
	_ =	sdelay $0x1  }
0x204: {  	v0 =	vperm.xlane v0, v4;
	v1 =	vadd.s32 v3, v59;
	_ =	sdelay $0x1  }
0x205: {  	v0 =	vadd.s32 v3, v0;
	_ =	sdelay $0x1  }
0x206: {  	s31 =	simm.s32 $0x9400  }
0x207: {  	[tilespmem:s31], [sflag:$0x1] =	stream.indirect_vreg.gather [hbm4b:s5+s2], $0x80, v1, vm0, $0xb8;
	[tilespmem:$0x1A400] =	vst v63  }
0x208: {  	s28 =	simm.s32 $0x9C00  }
0x209: {  	[tilespmem:s28], [sflag:$0x1] =	stream.indirect_vreg.gather [hbm4b:s5+s2], $0x80, v0, vm0, $0xb8;
	[tilespmem:$0x1A400] =	vst v63  }
0x20a: {  	v0 =	vld [tilespmem:s0+$0x140];
	_ =	sdelay $0x4  }
0x20b: {  	v60 =	vperm.xlane v0, v2;
	_ =	sdelay $0x1  }
0x20c: {  	v0 =	vperm.xlane v0, v4;
	v1 =	vadd.s32 v3, v60;
	_ =	sdelay $0x1  }
0x20d: {  	v0 =	vadd.s32 v3, v0;
	_ =	sdelay $0x1  }
0x20e: {  	s30 =	simm.s32 $0xA400  }
0x20f: {  	[tilespmem:s30], [sflag:$0x1] =	stream.indirect_vreg.gather [hbm4b:s5+s2], $0x80, v1, vm0, $0xb8;
	[tilespmem:$0x1A400] =	vst v63  }
0x210: {  	s31 =	simm.s32 $0xAC00  }
0x211: {  	[tilespmem:s31], [sflag:$0x1] =	stream.indirect_vreg.gather [hbm4b:s5+s2], $0x80, v0, vm0, $0xb8;
	[tilespmem:$0x1A400] =	vst v63  }
0x212: {  	v0 =	vld [tilespmem:s0+$0x150];
	_ =	sdelay $0x4  }
0x213: {  	v61 =	vperm.xlane v0, v2;
	_ =	sdelay $0x1  }
0x214: {  	v0 =	vperm.xlane v0, v4;
	v1 =	vadd.s32 v3, v61;
	_ =	sdelay $0x1  }
0x215: {  	v0 =	vadd.s32 v3, v0;
	_ =	sdelay $0x1  }
0x216: {  	s28 =	simm.s32 $0xB400  }
0x217: {  	[tilespmem:s28], [sflag:$0x1] =	stream.indirect_vreg.gather [hbm4b:s5+s2], $0x80, v1, vm0, $0xb8;
	[tilespmem:$0x1A400] =	vst v63  }
0x218: {  	s30 =	simm.s32 $0xBC00  }
0x219: {  	[tilespmem:s30], [sflag:$0x1] =	stream.indirect_vreg.gather [hbm4b:s5+s2], $0x80, v0, vm0, $0xb8;
	[tilespmem:$0x1A400] =	vst v63  }
0x21a: {  	v0 =	vld [tilespmem:s0+$0x160];
	_ =	sdelay $0x4  }
0x21b: {  	v62 =	vperm.xlane v0, v2;
	_ =	sdelay $0x1  }
0x21c: {  	v0 =	vperm.xlane v0, v4;
	v1 =	vadd.s32 v3, v62;
	_ =	sdelay $0x1  }
0x21d: {  	v0 =	vadd.s32 v3, v0;
	_ =	sdelay $0x1  }
0x21e: {  	s31 =	simm.s32 $0xC400  }
0x21f: {  	[tilespmem:s31], [sflag:$0x1] =	stream.indirect_vreg.gather [hbm4b:s5+s2], $0x80, v1, vm0, $0xb8;
	[tilespmem:$0x1A400] =	vst v63  }
0x220: {  	s28 =	simm.s32 $0xCC00  }
0x221: {  	[tilespmem:s28], [sflag:$0x1] =	stream.indirect_vreg.gather [hbm4b:s5+s2], $0x80, v0, vm0, $0xb8;
	[tilespmem:$0x1A400] =	vst v63  }
0x222: {  	v0 =	vld [tilespmem:s0+$0x170];
	_ =	sdelay $0x4  }
0x223: {  	v63 =	vperm.xlane v0, v2;
	_ =	sdelay $0x1  }
0x224: {  	v0 =	vperm.xlane v0, v4;
	v1 =	vadd.s32 v3, v63;
	_ =	sdelay $0x1  }
0x225: {  	v0 =	vadd.s32 v3, v0;
	_ =	sdelay $0x1  }
0x226: {  	s30 =	simm.s32 $0xD400  }
0x227: {  	[tilespmem:s30], [sflag:$0x1] =	stream.indirect_vreg.gather [hbm4b:s5+s2], $0x80, v1, vm0, $0xb8;
	[tilespmem:$0x1A400] =	vst v63  }
0x228: {  	s31 =	simm.s32 $0xDC00  }
0x229: {  	[tilespmem:s31], [sflag:$0x1] =	stream.indirect_vreg.gather [hbm4b:s5+s2], $0x80, v0, vm0, $0xb8;
	[tilespmem:$0x1A400] =	vst v63  }
.LBB2_6:
0x22a: {  	s0 =	sshll.u32 s25, $0x13  }
0x22b: {  	s0 =	sor.u32 s4, s0  }
0x22c: {  	s28 =	sshrl.u32 s0, $0x3  }
0x22d: {  	s0 =	sadd.s32 s1, s28  }
0x22e: {  	[hbm4b:s0+s9] =	stream.strided.scatter [tilespmem:s22], [sflag:$0x3], $0x2000, s10, s9, $0x38;
	[tilespmem:$0x1A400] =	vst v63  }
0x22f: {  	_ =	swait.ge [sflag:s23], $0x4000  }
0x230: {  	v21 =	vld [tilespmem:$0x1FF80];
	_ =	sdelay $0x1  }
0x231: {  	v1 =	vimm.s32 $0x0  }
0x232: {  	v0 =	vshll.u32 v1, $0x3  }
0x233: {  	v23 =	vand.u32 $0x78, v1;
	v26 =	vand.u32 $0xFFFFFC00, v0  }
0x234: {  	v24 =	vor.u32 $0x7, v23;
	v2 =	vadd.s32 v21, v26  }
0x235: {  	[sflag:s23] =	ssyncset.done $0x0;
	v0 =	vor.u32 v24, v2  }
0x236: {  	s0 =	simm.s32 @!p0 $0x4;
	[sflag:s23] =	ssyncadd.s32 $0xFFFFC000  }
0x237: {  	_ =	swait.ge @!p0 [sflag:s0], $0x2000  }
0x238: {  	[sflag:s0] =	ssyncset.done @!p0 $0x0  }
0x239: {  	[sflag:s0] =	ssyncadd.s32 @!p0 $0xFFFFE000  }
0x23a: {  	v0 =	vld.idx.msk [tilespmem:v0+s29+$0x0], $0xffff  }
0x23b: {  	v34 =	vor.u32 $0x3, v23  }
0x23c: {  	v4 =	vadd.s32 v18, v26;
	v3 =	vor.u32 v34, v2  }
0x23d: {  	v5 =	vor.u32 v24, v4;
	_ =	sdelay $0x1  }
0x23e: {  	v0 =	vmul.f32 $8.000000000e+00, v0  }
0x23f: {  	s30 =	simm.s32 $0x18600  }
0x240: {  	v3 =	vld.idx.msk [tilespmem:v3+s29+$0x0], $0xffff;
	[tilespmem:s30+$0x180] =	vst v0  }
0x241: {  	v5 =	vld.idx.msk [tilespmem:v5+s29+$0x0], $0xffff  }
0x242: {  	v37 =	vld [tilespmem:$0x1FFA0];
	_ =	sdelay $0x1  }
0x243: {  	v6 =	vor.u32 v34, v4;
	_ =	sdelay $0x1  }
0x244: {  	v39 =	vor.u32 $0x6, v23;
	v3 =	vmul.f32 $8.000000000e+00, v3  }
0x245: {  	v7 =	vor.u32 v39, v2;
	v0 =	vadd.s32 v37, v26;
	v5 =	vmul.f32 $8.000000000e+00, v5  }
0x246: {  	v40 =	vor.u32 $0x2, v23;
	[tilespmem:s30+$0xFFFFFF80] =	vst v3;
	v8 =	vor.u32 v24, v0  }
0x247: {  	v61 =	vor.u32 v40, v2;
	v3 =	vld.idx.msk [tilespmem:v6+s29+$0x0], $0xffff;
	[tilespmem:s30+$0x190] =	vst v5  }
0x248: {  	v45 =	vld [tilespmem:$0x1FFB0]  }
0x249: {  	v28 =	vor.u32 $0x4, v23  }
0x24a: {  	v10 =	vor.u32 v28, v2;
	v7 =	vld.idx.msk [tilespmem:v7+s29+$0x0], $0xffff  }
0x24b: {  	v11 =	vor.u32 v23, v2;
	v5 =	vld.idx.msk [tilespmem:v8+s29+$0x0], $0xffff  }
0x24c: {  	v6 =	vld.idx.msk [tilespmem:v61+s29+$0x0], $0xffff;
	v9 =	vor.u32 v34, v0;
	v3 =	vmul.f32 $8.000000000e+00, v3  }
0x24d: {  	v8 =	vor.u32 v39, v4;
	v19 =	vadd.s32 v45, v26  }
0x24e: {  	[tilespmem:s30+$0xFFFFFF90] =	vst v3;
	v3 =	vor.u32 v24, v19  }
0x24f: {  	v10 =	vld.idx.msk [tilespmem:v10+s29+$0x0], $0xffff;
	v7 =	vmul.f32 $8.000000000e+00, v7  }
0x250: {  	v42 =	vor.u32 $0x1, v23;
	v62 =	vor.u32 v40, v4;
	v11 =	vld.idx.msk [tilespmem:v11+s29+$0x0], $0xffff;
	v5 =	vmul.f32 $8.000000000e+00, v5  }
0x251: {  	v12 =	vor.u32 v42, v2;
	v63 =	vmul.f32 $8.000000000e+00, v6;
	[tilespmem:s30+$0x100] =	vst v7;
	v9 =	vld.idx.msk [tilespmem:v9+s29+$0x0], $0xffff  }
0x252: {  	v8 =	vld.idx.msk [tilespmem:v8+s29+$0x0], $0xffff;
	[tilespmem:s30+$0x1A0] =	vst v5  }
0x253: {  	v44 =	vor.u32 $0x5, v23;
	[tilespmem:s30+$0xFFFFFF00] =	vst v63;
	v3 =	vld.idx.msk [tilespmem:v3+s29+$0x0], $0xffff  }
0x254: {  	v2 =	vor.u32 v44, v2;
	v56 =	vld [tilespmem:$0x1FFC0]  }
0x255: {  	v10 =	vmul.f32 $8.000000000e+00, v10;
	v13 =	vor.u32 v34, v19;
	v5 =	vld.idx.msk [tilespmem:v62+s29+$0x0], $0xffff  }
0x256: {  	v12 =	vld.idx.msk [tilespmem:v12+s29+$0x0], $0xffff;
	v32 =	vor.u32 v39, v0;
	v9 =	vmul.f32 $8.000000000e+00, v9  }
0x257: {  	v14 =	vor.u32 v28, v4;
	[tilespmem:s30+$0x0] =	vst v10;
	v10 =	vmul.f32 $8.000000000e+00, v11  }
0x258: {  	[tilespmem:s30+$0xFFFFFFA0] =	vst v9;
	v9 =	vor.u32 v23, v4;
	v33 =	vmul.f32 $8.000000000e+00, v8  }
0x259: {  	v2 =	vld.idx.msk [tilespmem:v2+s29+$0x0], $0xffff;
	[tilespmem:s30+$0xFFFFFE00] =	vst v10;
	v20 =	vadd.s32 v56, v26;
	v3 =	vmul.f32 $8.000000000e+00, v3  }
0x25a: {  	v13 =	vld.idx.msk [tilespmem:v13+s29+$0x0], $0xffff;
	[tilespmem:s30+$0x110] =	vst v33;
	v5 =	vmul.f32 $8.000000000e+00, v5;
	v8 =	vor.u32 v24, v20  }
0x25b: {  	v15 =	vor.u32 v42, v4;
	v6 =	vld.idx.msk [tilespmem:v32+s29+$0x0], $0xffff;
	[tilespmem:s30+$0x1B0] =	vst v3;
	v3 =	vmul.f32 $8.000000000e+00, v12  }
0x25c: {  	[tilespmem:s30+$0xFFFFFF10] =	vst v5;
	v12 =	vld.idx.msk [tilespmem:v14+s29+$0x0], $0xffff  }
0x25d: {  	v35 =	vor.u32 v40, v0;
	[tilespmem:s30+$0xFFFFFE80] =	vst v3;
	v3 =	vld.idx.msk [tilespmem:v9+s29+$0x0], $0xffff  }
0x25e: {  	v11 =	vor.u32 v34, v20;
	v14 =	vadd.s32 $0x8, v1;
	v47 =	vld [tilespmem:$0x1FFD0]  }
0x25f: {  	v4 =	vor.u32 v44, v4;
	v13 =	vmul.f32 $8.000000000e+00, v13;
	v8 =	vld.idx.msk [tilespmem:v8+s29+$0x0], $0xffff;
	[tilespmem:$0x1FE90] =	vst v14  }
0x260: {  	v2 =	vmul.f32 $8.000000000e+00, v2;
	v18 =	vor.u32 v39, v19;
	v1 =	vld.idx.msk [tilespmem:v15+s29+$0x0], $0xffff  }
0x261: {  	v16 =	vor.u32 v28, v0;
	v17 =	vor.u32 v23, v0;
	v6 =	vmul.f32 $8.000000000e+00, v6;
	[tilespmem:s30+$0xFFFFFFB0] =	vst v13  }
0x262: {  	v10 =	vor.u32 v42, v0;
	v9 =	vshll.u32 v14, $0x3;
	v5 =	vld.idx.msk [tilespmem:v35+s29+$0x0], $0xffff;
	[tilespmem:s30+$0x80] =	vst v2;
	v2 =	vmul.f32 $8.000000000e+00, v12  }
0x263: {  	v59 =	vand.u32 $0xFFFFFC00, v9;
	[tilespmem:s30+$0x120] =	vst v6;
	v29 =	vld.idx.msk [tilespmem:v11+s29+$0x0], $0xffff;
	v11 =	vand.u32 $0x78, v14;
	v3 =	vmul.f32 $8.000000000e+00, v3  }
0x264: {  	v9 =	vadd.s32 v21, v59;
	v4 =	vld.idx.msk [tilespmem:v4+s29+$0x0], $0xffff;
	v12 =	vor.u32 $0x6, v11;
	[tilespmem:s30+$0x10] =	vst v2;
	v8 =	vmul.f32 $8.000000000e+00, v8  }
0x265: {  	v2 =	vld.idx.msk [tilespmem:v18+s29+$0x0], $0xffff;
	v25 =	vadd.s32 v47, v26;
	v38 =	vor.u32 v12, v9;
	[tilespmem:s30+$0xFFFFFE10] =	vst v3;
	v1 =	vmul.f32 $8.000000000e+00, v1  }
0x266: {  	v15 =	vor.u32 $0x7, v11;
	v36 =	vor.u32 v24, v25;
	v22 =	vld.idx.msk [tilespmem:v17+s29+$0x0], $0xffff;
	[tilespmem:s30+$0x1C0] =	vst v8  }
0x267: {  	v21 =	vor.u32 v15, v9;
	v8 =	vld.idx.msk [tilespmem:v16+s29+$0x0], $0xffff;
	[tilespmem:s30+$0xFFFFFE90] =	vst v1  }
0x268: {  	v51 =	vor.u32 $0x2, v11;
	v46 =	vld [tilespmem:$0x1FFE0]  }
0x269: {  	v33 =	vor.u32 v51, v9;
	v10 =	vld.idx.msk [tilespmem:v10+s29+$0x0], $0xffff  }
0x26a: {  	v18 =	vor.u32 v40, v19;
	v5 =	vmul.f32 $8.000000000e+00, v5;
	v6 =	vld.idx.msk [tilespmem:v38+s29+$0x0], $0xffff  }
0x26b: {  	v0 =	vor.u32 v44, v0;
	v16 =	vor.u32 $0x4, v11;
	v3 =	vld.idx.msk [tilespmem:v36+s29+$0x0], $0xffff  }
0x26c: {  	v13 =	vor.u32 $0x3, v11;
	v41 =	vor.u32 v16, v9;
	[tilespmem:s30+$0xFFFFFF20] =	vst v5;
	v21 =	vld.idx.msk [tilespmem:v21+s29+$0x0], $0xffff  }
0x26d: {  	v4 =	vmul.f32 $8.000000000e+00, v4;
	v1 =	vor.u32 v13, v9;
	v17 =	vld [tilespmem:$0x1FF90]  }
0x26e: {  	v30 =	vor.u32 v39, v20;
	v33 =	vld.idx.msk [tilespmem:v33+s29+$0x0], $0xffff;
	v27 =	vadd.s32 v46, v26  }
0x26f: {  	v2 =	vmul.f32 $8.000000000e+00, v2;
	v31 =	vld.idx.msk [tilespmem:v18+s29+$0x0], $0xffff;
	[tilespmem:s30+$0x90] =	vst v4;
	v43 =	vor.u32 v24, v27  }
0x270: {  	v32 =	vor.u32 v28, v19;
	v0 =	vld.idx.msk [tilespmem:v0+s29+$0x0], $0xffff;
	v3 =	vmul.f32 $8.000000000e+00, v3  }
0x271: {  	v35 =	vor.u32 v23, v19;
	[tilespmem:s30+$0x130] =	vst v2;
	v8 =	vmul.f32 $8.000000000e+00, v8;
	v7 =	vld.idx.msk [tilespmem:v41+s29+$0x0], $0xffff  }
0x272: {  	v58 =	vor.u32 v42, v19;
	v54 =	vmul.f32 $8.000000000e+00, v22;
	v1 =	vld.idx.msk [tilespmem:v1+s29+$0x0], $0xffff;
	[tilespmem:s30+$0x1D0] =	vst v3;
	v3 =	vadd.s32 v17, v59  }
0x273: {  	v18 =	vmovc v11;
	v11 =	vor.u32 $0x1, v11;
	[tilespmem:s30+$0x20] =	vst v8;
	v8 =	vld.idx.msk [tilespmem:v30+s29+$0x0], $0xffff;
	v21 =	vmul.f32 $8.000000000e+00, v21;
	v22 =	vor.u32 v15, v3  }
0x274: {  	s31 =	simm.s32 $0x18A00;
	[tilespmem:s30+$0xFFFFFE20] =	vst v54;
	v30 =	vor.u32 v11, v9;
	v10 =	vmul.f32 $8.000000000e+00, v10;
	v2 =	vld.idx.msk [tilespmem:v43+s29+$0x0], $0xffff  }
0x275: {  	v36 =	vor.u32 v40, v20;
	v6 =	vmul.f32 $8.000000000e+00, v6;
	v32 =	vld.idx.msk [tilespmem:v32+s29+$0x0], $0xffff;
	[tilespmem:s31+$0x180] =	vst v21  }
0x276: {  	v35 =	vld.idx.msk [tilespmem:v35+s29+$0x0], $0xffff;
	v21 =	vmul.f32 $8.000000000e+00, v31;
	[tilespmem:s30+$0xFFFFFEA0] =	vst v10;
	v57 =	vor.u32 v13, v3  }
0x277: {  	v10 =	vor.u32 v39, v25;
	[tilespmem:s31+$0x100] =	vst v6;
	v4 =	vld.idx.msk [tilespmem:v58+s29+$0x0], $0xffff;
	v1 =	vmul.f32 $8.000000000e+00, v1  }
0x278: {  	v31 =	vor.u32 v28, v20;
	[tilespmem:s30+$0xFFFFFF30] =	vst v21;
	v8 =	vmul.f32 $8.000000000e+00, v8;
	v22 =	vld.idx.msk [tilespmem:v22+s29+$0x0], $0xffff  }
0x279: {  	v62 =	vor.u32 v12, v3;
	v60 =	vld.idx.msk [tilespmem:v30+s29+$0x0], $0xffff;
	[tilespmem:s31+$0xFFFFFF80] =	vst v1;
	v2 =	vmul.f32 $8.000000000e+00, v2  }
0x27a: {  	v21 =	vor.u32 v23, v20;
	v1 =	vld.idx.msk [tilespmem:v36+s29+$0x0], $0xffff;
	v30 =	vmul.f32 $8.000000000e+00, v32;
	[tilespmem:s30+$0x140] =	vst v8  }
0x27b: {  	v0 =	vmul.f32 $8.000000000e+00, v0;
	v5 =	vld.idx.msk [tilespmem:v57+s29+$0x0], $0xffff;
	[tilespmem:s30+$0x1E0] =	vst v2;
	v2 =	vor.u32 v44, v19  }
0x27c: {  	v36 =	vadd.s32 v37, v59;
	[tilespmem:s30+$0x30] =	vst v30;
	v10 =	vld.idx.msk [tilespmem:v10+s29+$0x0], $0xffff;
	v19 =	vmul.f32 $8.000000000e+00, v35  }
0x27d: {  	v14 =	vor.u32 $0x5, v18;
	[tilespmem:s30+$0xA0] =	vst v0;
	v30 =	vor.u32 v15, v36;
	v31 =	vld.idx.msk [tilespmem:v31+s29+$0x0], $0xffff;
	v22 =	vmul.f32 $8.000000000e+00, v22  }
0x27e: {  	v0 =	vor.u32 v14, v9;
	v32 =	vld.idx.msk [tilespmem:v62+s29+$0x0], $0xffff;
	[tilespmem:s30+$0xFFFFFE30] =	vst v19  }
0x27f: {  	v8 =	vor.u32 v51, v3;
	v19 =	vor.u32 v14, v36;
	v52 =	vld.idx.msk [tilespmem:v21+s29+$0x0], $0xffff;
	v21 =	vmul.f32 $8.000000000e+00, v33;
	[tilespmem:s31+$0x190] =	vst v22  }
0x280: {  	v37 =	vor.u32 v13, v36;
	v5 =	vmul.f32 $8.000000000e+00, v5;
	v2 =	vld.idx.msk [tilespmem:v2+s29+$0x0], $0xffff;
	[tilespmem:$0x1FE40] =	vst v19  }
0x281: {  	v63 =	vor.u32 v42, v20;
	v4 =	vmul.f32 $8.000000000e+00, v4;
	[tilespmem:s31+$0xFFFFFF00] =	vst v21  }
0x282: {  	v53 =	vor.u32 v28, v25;
	v57 =	vmul.f32 $8.000000000e+00, v31;
	v30 =	vld.idx.msk [tilespmem:v30+s29+$0x0], $0xffff;
	[tilespmem:s31+$0xFFFFFF90] =	vst v5  }
0x283: {  	v1 =	vmul.f32 $8.000000000e+00, v1;
	v22 =	vor.u32 v40, v25;
	[tilespmem:s30+$0xFFFFFEB0] =	vst v4;
	v0 =	vld.idx.msk [tilespmem:v0+s29+$0x0], $0xffff  }
0x284: {  	v54 =	vmul.f32 $8.000000000e+00, v10;
	[tilespmem:s30+$0x40] =	vst v57;
	v8 =	vld.idx.msk [tilespmem:v8+s29+$0x0], $0xffff  }
0x285: {  	v48 =	vadd.s32 v45, v59;
	v43 =	vor.u32 v23, v25;
	[tilespmem:s30+$0xFFFFFF40] =	vst v1;
	v37 =	vld.idx.msk [tilespmem:v37+s29+$0x0], $0xffff;
	v6 =	vmul.f32 $8.000000000e+00, v52  }
0x286: {  	v49 =	vor.u32 v15, v48;
	v9 =	vor.u32 v18, v9;
	[tilespmem:s30+$0x150] =	vst v54;
	v58 =	vld.idx.msk [tilespmem:v63+s29+$0x0], $0xffff  }
0x287: {  	v38 =	vor.u32 v44, v20;
	v61 =	vor.u32 v18, v36;
	v1 =	vld.idx.msk [tilespmem:v53+s29+$0x0], $0xffff;
	v2 =	vmul.f32 $8.000000000e+00, v2;
	[tilespmem:s30+$0xFFFFFE40] =	vst v6  }
0x288: {  	v7 =	vmul.f32 $8.000000000e+00, v7;
	v62 =	vor.u32 v42, v25;
	v10 =	vor.u32 v16, v3;
	v57 =	vld.idx.msk [tilespmem:v22+s29+$0x0], $0xffff;
	[tilespmem:$0x1FE50] =	vst v61  }
0x289: {  	v35 =	vor.u32 v11, v3;
	v22 =	vmovc v51;
	v51 =	vor.u32 v51, v36;
	v30 =	vmul.f32 $8.000000000e+00, v30;
	[tilespmem:s30+$0xB0] =	vst v2  }
0x28a: {  	v31 =	vor.u32 v14, v3;
	v4 =	vor.u32 v18, v3;
	v52 =	vld.idx.msk [tilespmem:v43+s29+$0x0], $0xffff;
	v3 =	vmul.f32 $8.000000000e+00, v8;
	[tilespmem:s31+$0x0] =	vst v7  }
0x28b: {  	v61 =	vor.u32 v28, v27;
	v58 =	vmul.f32 $8.000000000e+00, v58;
	v9 =	vld.idx.msk [tilespmem:v9+s29+$0x0], $0xffff;
	[tilespmem:s31+$0x1A0] =	vst v30  }
0x28c: {  	v2 =	vor.u32 v13, v48;
	v1 =	vmul.f32 $8.000000000e+00, v1;
	v8 =	vld.idx.msk [tilespmem:v38+s29+$0x0], $0xffff;
	[tilespmem:s31+$0xFFFFFF10] =	vst v3  }
0x28d: {  	v55 =	vadd.s32 v55, v26;
	v30 =	vor.u32 v40, v27;
	v63 =	vld.idx.msk [tilespmem:v49+s29+$0x0], $0xffff;
	v3 =	vmul.f32 $8.000000000e+00, v37;
	[tilespmem:s30+$0xFFFFFEC0] =	vst v58  }
0x28e: {  	v26 =	vmul.f32 $8.000000000e+00, v32;
	v54 =	vor.u32 v39, v27;
	v53 =	vor.u32 v23, v27;
	[tilespmem:s30+$0x50] =	vst v1;
	v37 =	vld.idx.msk [tilespmem:v51+s29+$0x0], $0xffff  }
0x28f: {  	v21 =	vmov v12;
	v43 =	vor.u32 v44, v27;
	v33 =	vmul.f32 $8.000000000e+00, v57;
	[tilespmem:s31+$0xFFFFFFA0] =	vst v3;
	v3 =	vld.idx.msk [tilespmem:v62+s29+$0x0], $0xffff  }
0x290: {  	[tilespmem:s31+$0x110] =	vst v26;
	v38 =	vor.u32 v34, v27;
	v51 =	vor.u32 v42, v27;
	v49 =	vld.idx.msk [tilespmem:v61+s29+$0x0], $0xffff;
	v27 =	vmul.f32 $8.000000000e+00, v52  }
0x291: {  	v50 =	vor.u32 v44, v25;
	v41 =	vor.u32 v21, v36;
	[tilespmem:s30+$0xFFFFFF50] =	vst v33;
	v2 =	vld.idx.msk [tilespmem:v2+s29+$0x0], $0xffff  }
0x292: {  	v1 =	vor.u32 v24, v55;
	v24 =	vmov v14;
	v14 =	vor.u32 v11, v48;
	v57 =	vld.idx.msk [tilespmem:v30+s29+$0x0], $0xffff;
	[tilespmem:s30+$0xFFFFFE50] =	vst v27  }
0x293: {  	v6 =	vadd.s32 v56, v59;
	v8 =	vmul.f32 $8.000000000e+00, v8;
	v56 =	vld.idx.msk [tilespmem:v53+s29+$0x0], $0xffff;
	[tilespmem:$0x1FE60] =	vst v14;
	v14 =	vor.u32 v24, v48  }
0x294: {  	v7 =	vmul.f32 $8.000000000e+00, v63;
	[tilespmem:$0x1FE70] =	vst v14  }
0x295: {  	[tilespmem:s30+$0xC0] =	vst v8  }
0x296: {  	v26 =	vmul.f32 $8.000000000e+00, v0;
	v14 =	vor.u32 v18, v6;
	v0 =	vld.idx.msk [tilespmem:v41+s29+$0x0], $0xffff;
	[tilespmem:s31+$0x1B0] =	vst v7  }
0x297: {  	v5 =	vor.u32 v34, v25;
	v25 =	vor.u32 v11, v36;
	v3 =	vmul.f32 $8.000000000e+00, v3;
	v7 =	vld.idx.msk [tilespmem:v50+s29+$0x0], $0xffff;
	[tilespmem:$0x1FE80] =	vst v14  }
0x298: {  	v12 =	vor.u32 v16, v36;
	v45 =	vor.u32 v21, v48;
	v62 =	vmul.f32 $8.000000000e+00, v37;
	[tilespmem:s31+$0x80] =	vst v26  }
0x299: {  	v36 =	vor.u32 v22, v48;
	v52 =	vor.u32 v15, v6;
	v26 =	vmul.f32 $8.000000000e+00, v29;
	[tilespmem:s30+$0xFFFFFED0] =	vst v3  }
0x29a: {  	v33 =	vor.u32 v16, v48;
	v30 =	vor.u32 v18, v48;
	v48 =	vld.idx.msk [tilespmem:v1+s29+$0x0], $0xffff;
	v1 =	vmul.f32 $8.000000000e+00, v2;
	[tilespmem:s31+$0xFFFFFF20] =	vst v62  }
0x29b: {  	v3 =	vmul.f32 $8.000000000e+00, v60;
	[tilespmem:s30+$0xFFFFFFC0] =	vst v26  }
0x29c: {  	[tilespmem:s31+$0xFFFFFFB0] =	vst v1;
	v1 =	vmul.f32 $8.000000000e+00, v9  }
0x29d: {  	[tilespmem:s31+$0xFFFFFE80] =	vst v3;
	v3 =	vmul.f32 $8.000000000e+00, v49  }
0x29e: {  	v53 =	vmul.f32 $8.000000000e+00, v57;
	v57 =	vmovc v59;
	v59 =	vor.u32 v34, v55;
	v50 =	vld.idx.msk [tilespmem:v52+s29+$0x0], $0xffff;
	v34 =	vmul.f32 $8.000000000e+00, v7;
	[tilespmem:s31+$0xFFFFFE00] =	vst v1  }
0x29f: {  	v52 =	vld.idx.msk [tilespmem:v54+s29+$0x0], $0xffff;
	[tilespmem:s30+$0x60] =	vst v3  }
0x2a0: {  	v63 =	vor.u32 v13, v6;
	v2 =	vld.idx.msk [tilespmem:v51+s29+$0x0], $0xffff;
	[tilespmem:s30+$0xD0] =	vst v34  }
0x2a1: {  	v32 =	vor.u32 v16, v6;
	v58 =	vor.u32 v39, v55;
	v8 =	vor.u32 v28, v55;
	v1 =	vld [tilespmem:$0x1FE90]  }
0x2a2: {  	v61 =	vor.u32 v42, v55;
	v27 =	vor.u32 v24, v6;
	v37 =	vor.u32 v22, v6;
	v42 =	vld.idx.msk [tilespmem:v10+s29+$0x0], $0xffff  }
0x2a3: {  	v28 =	vor.u32 v11, v6;
	v41 =	vor.u32 v21, v6;
	v62 =	vor.u32 v40, v55;
	v40 =	vld.idx.msk [tilespmem:v5+s29+$0x0], $0xffff  }
0x2a4: {  	v60 =	vor.u32 v44, v55;
	v54 =	vor.u32 v23, v55;
	v39 =	vadd.s32 v46, v57;
	v44 =	vld.idx.msk [tilespmem:v4+s29+$0x0], $0xffff  }
0x2a5: {  	v46 =	vadd.s32 v47, v57;
	v49 =	vor.u32 v15, v39;
	v14 =	vld.idx.msk [tilespmem:v63+s29+$0x0], $0xffff;
	v55 =	vmul.f32 $8.000000000e+00, v50  }
0x2a6: {  	s3 =	simm.s32 $0x8;
	s0 =	simm.s32 $0x18A00;
	v50 =	vor.u32 v15, v46;
	v47 =	vld.idx.msk [tilespmem:v8+s29+$0x0], $0xffff;
	v51 =	vmul.f32 $8.000000000e+00, v2;
	v34 =	vadd.s32 $0x8, v1  }
.LBB2_7:
0x2a7: {  	v2 =	vld.idx.msk [tilespmem:v35+s29+$0x0], $0xffff;
	[tilespmem:s31+$0x1C0] =	vst v55  }
0x2a8: {  	v6 =	vld [tilespmem:$0x1FFA0];
	v7 =	vmul.f32 $8.000000000e+00, v42;
	[tilespmem:s30+$0xFFFFFF60] =	vst v53  }
0x2a9: {  	v8 =	vld.idx.msk [tilespmem:v43+s29+$0x0], $0xffff;
	v10 =	vmul.f32 $8.000000000e+00, v44;
	[tilespmem:s30+$0xFFFFFEE0] =	vst v51  }
0x2aa: {  	v1 =	vshll.u32 v34, $0x3;
	v9 =	vld.idx.msk [tilespmem:v62+s29+$0x0], $0xffff;
	[tilespmem:s31+$0x10] =	vst v7;
	v3 =	vmul.f32 $8.000000000e+00, v52  }
0x2ab: {  	[tilespmem:s31+$0xFFFFFE10] =	vst v10;
	v52 =	vand.u32 $0xFFFFFC00, v1;
	v1 =	vld.idx.msk [tilespmem:v31+s29+$0x0], $0xffff;
	v4 =	vmul.f32 $8.000000000e+00, v40  }
0x2ac: {  	v5 =	vmul.f32 $8.000000000e+00, v48;
	v48 =	vld [tilespmem:$0x1FF80];
	[tilespmem:s30+$0x160] =	vst v3  }
0x2ad: {  	v19 =	vmov v11;
	v55 =	vmul.f32 $8.000000000e+00, v47;
	v11 =	vld.idx.msk [tilespmem:v12+s29+$0x0], $0xffff;
	[tilespmem:s30+$0xFFFFFFD0] =	vst v4  }
0x2ae: {  	v0 =	vmul.f32 $8.000000000e+00, v0;
	v40 =	vand.u32 $0x78, v34;
	[tilespmem:s30+$0x1F0] =	vst v5;
	v31 =	vld.idx.msk [tilespmem:v38+s29+$0x0], $0xffff  }
0x2af: {  	v6 =	vadd.s32 v6, v52;
	v3 =	vmul.f32 $8.000000000e+00, v56;
	v56 =	vor.u32 $0x4, v40;
	[tilespmem:s30+$0x70] =	vst v55;
	v38 =	vld.idx.msk [tilespmem:v58+s29+$0x0], $0xffff  }
0x2b0: {  	v8 =	vmul.f32 $8.000000000e+00, v8;
	[tilespmem:s31+$0x120] =	vst v0;
	v0 =	vld.idx.msk [tilespmem:v61+s29+$0x0], $0xffff;
	v12 =	vor.u32 v56, v6  }
0x2b1: {  	v2 =	vmul.f32 $8.000000000e+00, v2;
	[tilespmem:$0x1FE30] =	vst v12;
	v12 =	vld [tilespmem:$0x1FE50];
	v4 =	vadd.s32 v48, v52;
	v48 =	vor.u32 $0x6, v40  }
0x2b2: {  	v53 =	vor.u32 $0x7, v40;
	[tilespmem:s30+$0xE0] =	vst v8;
	v58 =	vld.idx.msk [tilespmem:v45+s29+$0x0], $0xffff;
	v5 =	vor.u32 v48, v4  }
0x2b3: {  	v10 =	vld.idx.msk [tilespmem:v50+s29+$0x0], $0xffff;
	v9 =	vmul.f32 $8.000000000e+00, v9;
	[tilespmem:s31+$0xFFFFFE90] =	vst v2;
	v35 =	vor.u32 v53, v4;
	v8 =	vor.u32 v48, v6  }
0x2b4: {  	[tilespmem:$0x1FE00] =	vst v8;
	v8 =	vld.idx.msk [tilespmem:v60+s29+$0x0], $0xffff;
	v60 =	vadd.s32 v17, v52  }
0x2b5: {  	[tilespmem:s30+$0xFFFFFF70] =	vst v9;
	v0 =	vmul.f32 $8.000000000e+00, v0;
	v2 =	vor.u32 v40, v60  }
0x2b6: {  	v26 =	vmov v22;
	v25 =	vld.idx.msk [tilespmem:v25+s29+$0x0], $0xffff;
	v22 =	vmul.f32 $8.000000000e+00, v31;
	[tilespmem:$0x1FE20] =	vst v2  }
0x2b7: {  	v7 =	vmul.f32 $8.000000000e+00, v58;
	v58 =	vmovc v14;
	v14 =	vmov v13;
	[tilespmem:s30+$0xFFFFFEF0] =	vst v0;
	v0 =	vor.u32 v56, v60;
	v13 =	vld.idx.msk [tilespmem:v5+s29+$0x0], $0xffff  }
0x2b8: {  	v44 =	vor.u32 $0x3, v40;
	v20 =	vor.u32 v56, v4;
	[tilespmem:$0x1FE10] =	vst v0;
	v0 =	vmul.f32 $8.000000000e+00, v10;
	v10 =	vld.idx.msk [tilespmem:v35+s29+$0x0], $0xffff  }
0x2b9: {  	v50 =	vor.u32 v44, v4;
	[tilespmem:s30+$0xFFFFFFE0] =	vst v22;
	v55 =	vld.idx.msk [tilespmem:v12+s29+$0x0], $0xffff  }
0x2ba: {  	v9 =	vmul.f32 $8.000000000e+00, v38;
	[tilespmem:s30+$0xFFFFFE60] =	vst v3;
	v3 =	vld.idx.msk [tilespmem:v59+s29+$0x0], $0xffff  }
0x2bb: {  	v29 =	vmovc v15;
	v15 =	vmovc v57;
	v42 =	vor.u32 $0x1, v40;
	v47 =	vor.u32 $0x5, v40;
	v11 =	vmul.f32 $8.000000000e+00, v11;
	[tilespmem:s0+$0x130] =	vst v7;
	v59 =	vld.idx.msk [tilespmem:v54+s29+$0x0], $0xffff  }
0x2bc: {  	v51 =	vor.u32 $0x2, v40;
	v43 =	vor.u32 v42, v4;
	v62 =	vor.u32 v47, v4;
	v36 =	vld.idx.msk [tilespmem:v36+s29+$0x0], $0xffff;
	[tilespmem:s30+$0x170] =	vst v9  }
0x2bd: {  	v61 =	vor.u32 v40, v4;
	v4 =	vor.u32 v51, v4;
	v9 =	vld.idx.msk [tilespmem:v20+s29+$0x0], $0xffff;
	[tilespmem:s0+$0x20] =	vst v11;
	v8 =	vmul.f32 $8.000000000e+00, v8  }
0x2be: {  	v57 =	vor.u32 v48, v60;
	v31 =	vor.u32 v47, v60;
	v20 =	vld.idx.msk [tilespmem:v50+s29+$0x0], $0xffff;
	[tilespmem:s0+$0x1D0] =	vst v0;
	v10 =	vmul.f32 $8.000000000e+00, v10  }
0x2bf: {  	s31 =	sadd.s32 $0x400, s31;
	v2 =	vor.u32 v51, v60;
	v35 =	vor.u32 v42, v60;
	v22 =	vld.idx.msk [tilespmem:v41+s29+$0x0], $0xffff;
	[tilespmem:s30+$0xF0] =	vst v8;
	v3 =	vmul.f32 $8.000000000e+00, v3  }
0x2c0: {  	v12 =	vor.u32 v44, v60;
	v8 =	vor.u32 v53, v60;
	v11 =	vld.idx.msk [tilespmem:v49+s29+$0x0], $0xffff;
	v60 =	vmul.f32 $8.000000000e+00, v59;
	[tilespmem:s31+$0x180] =	vst v10  }
0x2c1: {  	v1 =	vmul.f32 $8.000000000e+00, v1;
	v10 =	vld [tilespmem:$0x1FE40];
	[tilespmem:s30+$0xFFFFFFF0] =	vst v3  }
0x2c2: {  	[tilespmem:s30+$0xFFFFFE70] =	vst v60;
	s30 =	smov.u32 s0  }
0x2c3: {  	v38 =	vor.u32 v40, v6;
	[tilespmem:s30+$0x90] =	vst v1;
	v1 =	vmul.f32 $8.000000000e+00, v36  }
0x2c4: {  	v23 =	vmov v21;
	v21 =	vor.u32 v47, v6;
	[tilespmem:$0x1FE50] =	vst v38;
	v4 =	vld.idx.msk [tilespmem:v4+s29+$0x0], $0xffff;
	v38 =	vmul.f32 $8.000000000e+00, v55  }
0x2c5: {  	[tilespmem:s30+$0xFFFFFF30] =	vst v1;
	v1 =	vmul.f32 $8.000000000e+00, v11;
	v11 =	vmov v21;
	v21 =	vmul.f32 $8.000000000e+00, v22;
	v22 =	vld [tilespmem:$0x1FE60]  }
0x2c6: {  	[tilespmem:s30+$0xFFFFFE20] =	vst v38  }
0x2c7: {  	v20 =	vmul.f32 $8.000000000e+00, v20;
	v30 =	vld.idx.msk [tilespmem:v30+s29+$0x0], $0xffff  }
0x2c8: {  	v55 =	vmul.f32 $8.000000000e+00, v25  }
0x2c9: {  	v50 =	vor.u32 v23, v46;
	[tilespmem:s31+$0xFFFFFF80] =	vst v20;
	v10 =	vld.idx.msk [tilespmem:v10+s29+$0x0], $0xffff  }
0x2ca: {  	v33 =	vld.idx.msk [tilespmem:v33+s29+$0x0], $0xffff;
	[tilespmem:s30+$0xFFFFFEA0] =	vst v55  }
0x2cb: {  	v8 =	vld.idx.msk [tilespmem:v8+s29+$0x0], $0xffff;
	[tilespmem:$0x1FE40] =	vst v11  }
0x2cc: {  	v12 =	vld.idx.msk [tilespmem:v12+s29+$0x0], $0xffff;
	[tilespmem:s30+$0x1E0] =	vst v1;
	v1 =	vmul.f32 $8.000000000e+00, v30  }
0x2cd: {  	v11 =	vmul.f32 $8.000000000e+00, v13;
	[tilespmem:s30+$0x140] =	vst v21;
	v22 =	vld.idx.msk [tilespmem:v22+s29+$0x0], $0xffff  }
0x2ce: {  	[tilespmem:s30+$0xFFFFFE30] =	vst v1;
	v1 =	vmul.f32 $8.000000000e+00, v10;
	v10 =	vld.idx.msk [tilespmem:v50+s29+$0x0], $0xffff  }
0x2cf: {  	[tilespmem:s31+$0x100] =	vst v11;
	v11 =	vld [tilespmem:$0x1FE80]  }
0x2d0: {  	v20 =	vmul.f32 $8.000000000e+00, v33  }
0x2d1: {  	v13 =	vld.idx.msk [tilespmem:v37+s29+$0x0], $0xffff;
	v8 =	vmul.f32 $8.000000000e+00, v8  }
0x2d2: {  	v17 =	vor.u32 v16, v46;
	v7 =	vor.u32 v14, v46;
	[tilespmem:s30+$0x30] =	vst v20  }
0x2d3: {  	v54 =	vor.u32 v24, v46;
	v0 =	vor.u32 v19, v46;
	v3 =	vor.u32 v18, v46;
	[tilespmem:s31+$0x190] =	vst v8;
	v8 =	vld [tilespmem:$0x1FE70]  }
0x2d4: {  	v55 =	vor.u32 v26, v46;
	v46 =	vld.idx.msk [tilespmem:v43+s29+$0x0], $0xffff;
	[tilespmem:s30+$0xA0] =	vst v1;
	v1 =	vmul.f32 $8.000000000e+00, v12;
	v12 =	vmul.f32 $8.000000000e+00, v22  }
0x2d5: {  	v63 =	vor.u32 v53, v6;
	v20 =	vld.idx.msk [tilespmem:v32+s29+$0x0], $0xffff  }
0x2d6: {  	[tilespmem:s30+$0xFFFFFEB0] =	vst v12;
	v12 =	vmul.f32 $8.000000000e+00, v13;
	v13 =	vld [tilespmem:$0x1FFB0]  }
0x2d7: {  	v45 =	vor.u32 v44, v6;
	v11 =	vld.idx.msk [tilespmem:v11+s29+$0x0], $0xffff;
	_ =	sdelay $0x2  }
0x2d8: {  	v63 =	vld.idx.msk [tilespmem:v63+s29+$0x0], $0xffff  }
0x2d9: {  	v8 =	vld.idx.msk [tilespmem:v8+s29+$0x0], $0xffff;
	[tilespmem:s31+$0xFFFFFF90] =	vst v1;
	v1 =	vmul.f32 $8.000000000e+00, v20  }
0x2da: {  	v4 =	vmul.f32 $8.000000000e+00, v4;
	v20 =	vld.idx.msk [tilespmem:v45+s29+$0x0], $0xffff;
	v13 =	vadd.s32 v13, v52;
	v11 =	vmul.f32 $8.000000000e+00, v11  }
0x2db: {  	[tilespmem:s30+$0x40] =	vst v1;
	v1 =	vmul.f32 $8.000000000e+00, v10;
	v22 =	vld.idx.msk [tilespmem:v28+s29+$0x0], $0xffff;
	v10 =	vor.u32 v44, v13;
	v28 =	vor.u32 v53, v13  }
0x2dc: {  	v36 =	vor.u32 v51, v13;
	v45 =	vor.u32 v48, v13;
	[tilespmem:s30+$0xFFFFFE40] =	vst v11;
	v11 =	vor.u32 v42, v13  }
0x2dd: {  	v30 =	vor.u32 v40, v13;
	v33 =	vor.u32 v56, v13;
	[tilespmem:$0x1FE60] =	vst v11;
	v11 =	vor.u32 v47, v13;
	v13 =	vld [tilespmem:$0x1FFF0]  }
0x2de: {  	[tilespmem:s31+$0xFFFFFF00] =	vst v4  }
0x2df: {  	v2 =	vld.idx.msk [tilespmem:v2+s29+$0x0], $0xffff  }
0x2e0: {  	v21 =	vld.idx.msk [tilespmem:v57+s29+$0x0], $0xffff  }
0x2e1: {  	v8 =	vmul.f32 $8.000000000e+00, v8;
	[tilespmem:s30+$0x150] =	vst v1;
	v1 =	vld.idx.msk [tilespmem:v62+s29+$0x0], $0xffff  }
0x2e2: {  	v4 =	vmul.f32 $8.000000000e+00, v63;
	[tilespmem:s30+$0xFFFFFF40] =	vst v12;
	v13 =	vadd.s32 v13, v15;
	v15 =	vld [tilespmem:$0x1FFC0]  }
0x2e3: {  	v12 =	vld.idx.msk [tilespmem:v17+s29+$0x0], $0xffff;
	[tilespmem:s30+$0xB0] =	vst v8  }
0x2e4: {  	v2 =	vmul.f32 $8.000000000e+00, v2;
	[tilespmem:s31+$0x1A0] =	vst v4;
	v50 =	vld.idx.msk [tilespmem:v27+s29+$0x0], $0xffff  }
0x2e5: {  	v9 =	vmul.f32 $8.000000000e+00, v9;
	v8 =	vld.idx.msk [tilespmem:v28+s29+$0x0], $0xffff  }
0x2e6: {  	v57 =	vmov v52;
	v17 =	vld.idx.msk [tilespmem:v55+s29+$0x0], $0xffff;
	[tilespmem:s31+$0xFFFFFF10] =	vst v2;
	v2 =	vmul.f32 $8.000000000e+00, v20  }
0x2e7: {  	[tilespmem:s31+$0x0] =	vst v9;
	v9 =	vmul.f32 $8.000000000e+00, v22;
	v20 =	vadd.s32 v15, v57;
	v15 =	vmov v53  }
0x2e8: {  	v55 =	vld [tilespmem:$0x1FE10];
	[tilespmem:s31+$0xFFFFFFA0] =	vst v2;
	v22 =	vor.u32 v15, v20  }
0x2e9: {  	[tilespmem:s30+$0xFFFFFEC0] =	vst v9;
	v3 =	vld.idx.msk [tilespmem:v3+s29+$0x0], $0xffff;
	v4 =	vmul.f32 $8.000000000e+00, v50  }
0x2ea: {  	[tilespmem:$0x1FE70] =	vst v11;
	v10 =	vld.idx.msk [tilespmem:v10+s29+$0x0], $0xffff;
	v8 =	vmul.f32 $8.000000000e+00, v8  }
0x2eb: {  	v25 =	vor.u32 v42, v6;
	v6 =	vor.u32 v51, v6;
	v1 =	vmul.f32 $8.000000000e+00, v1;
	v11 =	vld.idx.msk [tilespmem:v61+s29+$0x0], $0xffff;
	[tilespmem:s30+$0xC0] =	vst v4  }
0x2ec: {  	v4 =	vld.idx.msk [tilespmem:v54+s29+$0x0], $0xffff;
	[tilespmem:s31+$0x1B0] =	vst v8  }
0x2ed: {  	[tilespmem:s31+$0x80] =	vst v1;
	v1 =	vld.idx.msk [tilespmem:v22+s29+$0x0], $0xffff  }
0x2ee: {  	v41 =	vor.u32 v18, v39;
	v49 =	vor.u32 v23, v39;
	v2 =	vld.idx.msk [tilespmem:v0+s29+$0x0], $0xffff;
	v0 =	vmul.f32 $8.000000000e+00, v12  }
0x2ef: {  	v5 =	vmovc v18;
	v18 =	vor.u32 v26, v39;
	v63 =	vld [tilespmem:$0x1FFE0];
	v8 =	vmul.f32 $8.000000000e+00, v10;
	v10 =	vmul.f32 $8.000000000e+00, v58  }
0x2f0: {  	v60 =	vor.u32 v16, v39;
	v21 =	vmul.f32 $8.000000000e+00, v21;
	v6 =	vld.idx.msk [tilespmem:v6+s29+$0x0], $0xffff;
	[tilespmem:s30+$0x50] =	vst v0  }
0x2f1: {  	v9 =	vmul.f32 $8.000000000e+00, v17;
	v28 =	vor.u32 v42, v20;
	[tilespmem:s30+$0xFFFFFFC0] =	vst v10;
	v10 =	vmul.f32 $8.000000000e+00, v11;
	v11 =	vmovc v42;
	v42 =	vld.idx.msk [tilespmem:v55+s29+$0x0], $0xffff  }
0x2f2: {  	v59 =	vor.u32 v19, v39;
	[tilespmem:s31+$0x110] =	vst v21;
	v55 =	vmul.f32 $8.000000000e+00, v1;
	v1 =	vld [tilespmem:$0x1FE20]  }
0x2f3: {  	v52 =	vld.idx.msk [tilespmem:v49+s29+$0x0], $0xffff;
	[tilespmem:s30+$0xFFFFFF50] =	vst v9;
	v3 =	vmul.f32 $8.000000000e+00, v3;
	v17 =	vor.u32 v29, v13  }
0x2f4: {  	v18 =	vld.idx.msk [tilespmem:v18+s29+$0x0], $0xffff;
	v2 =	vmul.f32 $8.000000000e+00, v2  }
0x2f5: {  	[tilespmem:s30+$0xFFFFFE50] =	vst v3;
	v3 =	vld.idx.msk [tilespmem:v60+s29+$0x0], $0xffff  }
0x2f6: {  	v12 =	vor.u32 v16, v13;
	v16 =	vmov v56;
	[tilespmem:s30+$0xFFFFFED0] =	vst v2;
	v56 =	vld.idx.msk [tilespmem:v41+s29+$0x0], $0xffff  }
0x2f7: {  	v62 =	vor.u32 v26, v13;
	v2 =	vld.idx.msk [tilespmem:v59+s29+$0x0], $0xffff;
	v0 =	vor.u32 v40, v20  }
0x2f8: {  	v21 =	vmov v48;
	v61 =	vor.u32 v19, v13;
	v41 =	vor.u32 v48, v20;
	v48 =	vld.idx.msk [tilespmem:v17+s29+$0x0], $0xffff;
	[tilespmem:$0x1FE80] =	vst v0  }
0x2f9: {  	v54 =	vor.u32 v5, v13;
	v60 =	vor.u32 v24, v13;
	v59 =	vor.u32 v14, v13;
	v0 =	vld [tilespmem:$0x1FE00];
	[tilespmem:s31+$0xFFFFFE00] =	vst v10  }
0x2fa: {  	v58 =	vor.u32 v23, v13;
	v13 =	vmov v44;
	v9 =	vor.u32 v44, v20;
	v44 =	vld.idx.msk [tilespmem:v1+s29+$0x0], $0xffff  }
0x2fb: {  	s3 =	sadd.s32 $0x8, s3;
	v3 =	vmul.f32 $8.000000000e+00, v3;
	v1 =	vld [tilespmem:$0x1FFD0]  }
0x2fc: {  	p0 =	slt.u32 s3, $0x38;
	v38 =	vor.u32 v14, v39;
	v17 =	vld [tilespmem:$0x1FF90];
	[tilespmem:s31+$0xFFFFFFB0] =	vst v8  }
.Ltmp6:
0x2fd: {  	v43 =	vor.u32 v24, v39;
	v6 =	vmul.f32 $8.000000000e+00, v6;
	v53 =	vmul.f32 $8.000000000e+00, v18;
	v18 =	vmovc v40;
	v40 =	vld.idx.msk [tilespmem:v7+s29+$0x0], $0xffff;
	[tilespmem:s30+$0x60] =	vst v3;
	(pc) =	sbr.rel @p0 .LBB2_7-.Ltmp6, $4  }
0x2fe: {  	v39 =	vadd.s32 v63, v57;
	v24 =	vmovc v47;
	v4 =	vmul.f32 $8.000000000e+00, v4;
	v27 =	vor.u32 v47, v20;
	v47 =	vld.idx.msk [tilespmem:v12+s29+$0x0], $0xffff  }
0x2ff: {  	[tilespmem:s31+$0xFFFFFF20] =	vst v6;
	v32 =	vor.u32 v16, v20;
	v37 =	vor.u32 v51, v20;
	v20 =	vmul.f32 $8.000000000e+00, v46;
	v12 =	vld [tilespmem:$0x1FE30]  }
0x300: {  	[tilespmem:s30+$0xD0] =	vst v4;
	v49 =	vor.u32 v15, v39;
	v14 =	vld.idx.msk [tilespmem:v9+s29+$0x0], $0xffff;
	v46 =	vadd.s32 v1, v57  }
0x301: {  	v34 =	vadd.s32 $0x8, v34;
	s0 =	smov.u32 s31;
	[tilespmem:s31+$0xFFFFFE80] =	vst v20;
	v22 =	vmovc v51;
	v51 =	vmul.f32 $8.000000000e+00, v2;
	v0 =	vld.idx.msk [tilespmem:v0+s29+$0x0], $0xffff;
	v50 =	vor.u32 v15, v46  }
0x302: {  	_ = 	snop  }
0x303: {  	[tilespmem:s30+$0xFFFFFF60] =	vst v53  }
0x304: {  	v1 =	vmul.f32 $8.000000000e+00, v52;
	[tilespmem:s31+$0x1C0] =	vst v55  }
0x305: {  	v2 =	vmul.f32 $8.000000000e+00, v40;
	[tilespmem:s30+$0xFFFFFEE0] =	vst v51  }
0x306: {  	v3 =	vld.idx.msk [tilespmem:v35+s29+$0x0], $0xffff;
	v4 =	vmul.f32 $8.000000000e+00, v48;
	[tilespmem:s30+$0x160] =	vst v1  }
0x307: {  	v40 =	vld.idx.msk [tilespmem:v31+s29+$0x0], $0xffff;
	v42 =	vmul.f32 $8.000000000e+00, v42;
	[tilespmem:s30+$0xFFFFFFD0] =	vst v2  }
0x308: {  	v43 =	vld.idx.msk [tilespmem:v43+s29+$0x0], $0xffff;
	v48 =	vmul.f32 $8.000000000e+00, v47;
	[tilespmem:s30+$0x1F0] =	vst v4  }
0x309: {  	v51 =	vmul.f32 $8.000000000e+00, v44;
	[tilespmem:s31+$0x10] =	vst v42  }
0x30a: {  	[tilespmem:s30+$0x70] =	vst v48;
	v0 =	vmul.f32 $8.000000000e+00, v0  }
0x30b: {  	[tilespmem:s31+$0xFFFFFE10] =	vst v51;
	v3 =	vmul.f32 $8.000000000e+00, v3  }
0x30c: {  	v1 =	vmul.f32 $8.000000000e+00, v40;
	[tilespmem:s31+$0x120] =	vst v0  }
0x30d: {  	v53 =	vmul.f32 $8.000000000e+00, v43;
	[tilespmem:s31+$0xFFFFFE90] =	vst v3  }
0x30e: {  	[tilespmem:s0+$0x90] =	vst v1  }
0x30f: {  	v5 =	vld.idx.msk [tilespmem:v38+s29+$0x0], $0xffff;
	[tilespmem:s30+$0xE0] =	vst v53  }
0x310: {  	v3 =	vld [tilespmem:$0x1FE40];
	_ =	sdelay $0x1  }
0x311: {  	v52 =	vld.idx.msk [tilespmem:v62+s29+$0x0], $0xffff  }
0x312: {  	v6 =	vld.idx.msk [tilespmem:v12+s29+$0x0], $0xffff  }
0x313: {  	v61 =	vld.idx.msk [tilespmem:v61+s29+$0x0], $0xffff;
	v5 =	vmul.f32 $8.000000000e+00, v5  }
0x314: {  	v7 =	vld.idx.msk [tilespmem:v45+s29+$0x0], $0xffff  }
0x315: {  	v55 =	vld.idx.msk [tilespmem:v25+s29+$0x0], $0xffff;
	[tilespmem:s30+$0xFFFFFFE0] =	vst v5  }
0x316: {  	v62 =	vmul.f32 $8.000000000e+00, v56;
	v9 =	vld [tilespmem:$0x1FE50]  }
0x317: {  	v63 =	vmul.f32 $8.000000000e+00, v6;
	v3 =	vld.idx.msk [tilespmem:v3+s29+$0x0], $0xffff  }
0x318: {  	v0 =	vmul.f32 $8.000000000e+00, v52;
	[tilespmem:s30+$0xFFFFFE60] =	vst v62  }
0x319: {  	v4 =	vmul.f32 $8.000000000e+00, v61;
	[tilespmem:s0+$0x20] =	vst v63  }
0x31a: {  	[tilespmem:s30+$0xFFFFFF70] =	vst v0;
	v2 =	vmul.f32 $8.000000000e+00, v55  }
0x31b: {  	[tilespmem:s30+$0xFFFFFEF0] =	vst v4;
	v25 =	vmul.f32 $8.000000000e+00, v7  }
0x31c: {  	v10 =	vld.idx.msk [tilespmem:v58+s29+$0x0], $0xffff;
	[tilespmem:s0+$0xFFFFFEA0] =	vst v2;
	v23 =	vmul.f32 $8.000000000e+00, v3  }
0x31d: {  	v4 =	vld [tilespmem:$0x1FE60];
	[tilespmem:s0+$0x130] =	vst v25  }
0x31e: {  	v6 =	vld.idx.msk [tilespmem:v9+s29+$0x0], $0xffff;
	[tilespmem:s0+$0xA0] =	vst v23  }
0x31f: {  	v2 =	vld [tilespmem:$0x1FE70]  }
0x320: {  	v12 =	vld.idx.msk [tilespmem:v33+s29+$0x0], $0xffff  }
0x321: {  	v20 =	vld.idx.msk [tilespmem:v36+s29+$0x0], $0xffff  }
0x322: {  	v26 =	vld.idx.msk [tilespmem:v50+s29+$0x0], $0xffff  }
0x323: {  	v29 =	vld.idx.msk [tilespmem:v60+s29+$0x0], $0xffff;
	v6 =	vmul.f32 $8.000000000e+00, v6  }
0x324: {  	v1 =	vmul.f32 $8.000000000e+00, v10;
	v33 =	vld.idx.msk [tilespmem:v59+s29+$0x0], $0xffff  }
0x325: {  	v0 =	vmul.f32 $8.000000000e+00, v12;
	v4 =	vld.idx.msk [tilespmem:v4+s29+$0x0], $0xffff;
	[tilespmem:s0+$0xFFFFFE20] =	vst v6  }
0x326: {  	v5 =	vmul.f32 $8.000000000e+00, v20;
	[tilespmem:s30+$0x170] =	vst v1;
	v31 =	vld.idx.msk [tilespmem:v30+s29+$0x0], $0xffff  }
0x327: {  	v35 =	vmul.f32 $8.000000000e+00, v26;
	[tilespmem:s0+$0x30] =	vst v0;
	v2 =	vld.idx.msk [tilespmem:v2+s29+$0x0], $0xffff  }
0x328: {  	v40 =	vmul.f32 $8.000000000e+00, v29;
	[tilespmem:s0+$0xFFFFFF30] =	vst v5  }
0x329: {  	v44 =	vmul.f32 $8.000000000e+00, v33;
	[tilespmem:s0+$0x1D0] =	vst v35  }
0x32a: {  	[tilespmem:s30+$0xF0] =	vst v40;
	v34 =	vmul.f32 $8.000000000e+00, v4  }
0x32b: {  	[tilespmem:s30+$0xFFFFFFF0] =	vst v44;
	v1 =	vmul.f32 $8.000000000e+00, v31  }
0x32c: {  	[tilespmem:s0+$0xFFFFFEB0] =	vst v34;
	v38 =	vmul.f32 $8.000000000e+00, v2  }
0x32d: {  	v36 =	vld.idx.msk [tilespmem:v32+s29+$0x0], $0xffff;
	[tilespmem:s0+$0xFFFFFE30] =	vst v1  }
0x32e: {  	v37 =	vld.idx.msk [tilespmem:v37+s29+$0x0], $0xffff;
	[tilespmem:s0+$0xB0] =	vst v38  }
0x32f: {  	v0 =	vld [tilespmem:$0x1FE80]  }
0x330: {  	v8 =	vor.u32 v16, v46;
	v42 =	vld.idx.msk [tilespmem:v28+s29+$0x0], $0xffff  }
0x331: {  	v45 =	vor.u32 v22, v46;
	v43 =	vld.idx.msk [tilespmem:v41+s29+$0x0], $0xffff  }
0x332: {  	v48 =	vmul.f32 $8.000000000e+00, v36  }
0x333: {  	v10 =	vld.idx.msk [tilespmem:v54+s29+$0x0], $0xffff;
	v7 =	vmul.f32 $8.000000000e+00, v37  }
0x334: {  	v47 =	vld.idx.msk [tilespmem:v27+s29+$0x0], $0xffff;
	[tilespmem:s0+$0x40] =	vst v48  }
0x335: {  	v52 =	vmul.f32 $8.000000000e+00, v42;
	[tilespmem:s0+$0xFFFFFF40] =	vst v7;
	v54 =	vld.idx.msk [tilespmem:v8+s29+$0x0], $0xffff  }
0x336: {  	v4 =	vmul.f32 $8.000000000e+00, v43;
	v2 =	vld.idx.msk [tilespmem:v45+s29+$0x0], $0xffff  }
0x337: {  	v59 =	vmul.f32 $8.000000000e+00, v14;
	v9 =	vor.u32 v11, v46;
	[tilespmem:s0+$0xFFFFFEC0] =	vst v52;
	v0 =	vld.idx.msk [tilespmem:v0+s29+$0x0], $0xffff  }
0x338: {  	v50 =	vor.u32 v21, v46;
	v61 =	vmul.f32 $8.000000000e+00, v10;
	[tilespmem:s0+$0x140] =	vst v4  }
0x339: {  	v51 =	vor.u32 v24, v46;
	[tilespmem:s0+$0xFFFFFFC0] =	vst v59;
	v56 =	vmul.f32 $8.000000000e+00, v47  }
0x33a: {  	[tilespmem:s30+$0xFFFFFE70] =	vst v61;
	v23 =	vmul.f32 $8.000000000e+00, v54  }
0x33b: {  	v53 =	vor.u32 v13, v46;
	v2 =	vmul.f32 $8.000000000e+00, v2;
	[tilespmem:s0+$0xC0] =	vst v56  }
0x33c: {  	v55 =	vor.u32 v18, v46;
	v58 =	vld.idx.msk [tilespmem:v9+s29+$0x0], $0xffff;
	[tilespmem:s0+$0x50] =	vst v23;
	v0 =	vmul.f32 $8.000000000e+00, v0  }
0x33d: {  	v5 =	vld.idx.msk [tilespmem:v50+s29+$0x0], $0xffff;
	[tilespmem:s0+$0xFFFFFF50] =	vst v2  }
0x33e: {  	v19 =	vmov v11;
	v60 =	vor.u32 v16, v39;
	v11 =	vld.idx.msk [tilespmem:v51+s29+$0x0], $0xffff;
	[tilespmem:s0+$0xFFFFFE40] =	vst v0  }
0x33f: {  	v62 =	vor.u32 v22, v39;
	v34 =	vld [tilespmem:$0x1FFF0]  }
0x340: {  	v63 =	vor.u32 v19, v39;
	v3 =	vld.idx.msk [tilespmem:v53+s29+$0x0], $0xffff  }
0x341: {  	v25 =	vor.u32 v21, v39;
	v26 =	vld.idx.msk [tilespmem:v55+s29+$0x0], $0xffff  }
0x342: {  	v28 =	vor.u32 v24, v39;
	v27 =	vld.idx.msk [tilespmem:v49+s29+$0x0], $0xffff;
	v29 =	vmul.f32 $8.000000000e+00, v58  }
0x343: {  	v30 =	vor.u32 v13, v39;
	v5 =	vmul.f32 $8.000000000e+00, v5;
	v31 =	vld.idx.msk [tilespmem:v60+s29+$0x0], $0xffff  }
0x344: {  	v36 =	vor.u32 v18, v39;
	v10 =	vld.idx.msk [tilespmem:v62+s29+$0x0], $0xffff;
	v38 =	vmul.f32 $8.000000000e+00, v11;
	[tilespmem:s0+$0xFFFFFED0] =	vst v29;
	v37 =	vadd.s32 v34, v57  }
0x345: {  	v3 =	vmul.f32 $8.000000000e+00, v3;
	[tilespmem:s0+$0x150] =	vst v5;
	v6 =	vld.idx.msk [tilespmem:v63+s29+$0x0], $0xffff;
	v39 =	vor.u32 v15, v37  }
0x346: {  	[tilespmem:s0+$0xD0] =	vst v38;
	v1 =	vld.idx.msk [tilespmem:v25+s29+$0x0], $0xffff;
	v7 =	vmul.f32 $8.000000000e+00, v26;
	v40 =	vor.u32 v16, v37  }
0x347: {  	v41 =	vmul.f32 $8.000000000e+00, v27;
	[tilespmem:s0+$0xFFFFFFD0] =	vst v3;
	v12 =	vld.idx.msk [tilespmem:v28+s29+$0x0], $0xffff;
	v42 =	vor.u32 v22, v37  }
0x348: {  	v2 =	vmul.f32 $8.000000000e+00, v31;
	v4 =	vld.idx.msk [tilespmem:v30+s29+$0x0], $0xffff;
	v43 =	vor.u32 v19, v37;
	[tilespmem:s0+$0xFFFFFE50] =	vst v7  }
0x349: {  	v46 =	vmul.f32 $8.000000000e+00, v10;
	[tilespmem:s0+$0x1E0] =	vst v41;
	v45 =	vor.u32 v21, v37;
	v44 =	vld.idx.msk [tilespmem:v36+s29+$0x0], $0xffff  }
0x34a: {  	v20 =	vmov v13;
	[tilespmem:s0+$0x60] =	vst v2;
	v47 =	vor.u32 v24, v37;
	v48 =	vmul.f32 $8.000000000e+00, v6;
	v5 =	vld.idx.msk [tilespmem:v39+s29+$0x0], $0xffff  }
0x34b: {  	[tilespmem:s0+$0xFFFFFF60] =	vst v46;
	v49 =	vor.u32 v20, v37;
	v1 =	vmul.f32 $8.000000000e+00, v1;
	v11 =	vld.idx.msk [tilespmem:v40+s29+$0x0], $0xffff  }
0x34c: {  	v50 =	vor.u32 v18, v37;
	v51 =	vmul.f32 $8.000000000e+00, v12;
	[tilespmem:s0+$0xFFFFFEE0] =	vst v48;
	v8 =	vld.idx.msk [tilespmem:v42+s29+$0x0], $0xffff  }
0x34d: {  	v53 =	vmul.f32 $8.000000000e+00, v4;
	[tilespmem:s0+$0x160] =	vst v1;
	v52 =	vld.idx.msk [tilespmem:v43+s29+$0x0], $0xffff  }
0x34e: {  	[tilespmem:s0+$0xE0] =	vst v51;
	v54 =	vld.idx.msk [tilespmem:v45+s29+$0x0], $0xffff;
	v0 =	vmul.f32 $8.000000000e+00, v44  }
0x34f: {  	[tilespmem:s0+$0xFFFFFFE0] =	vst v53;
	v56 =	vld.idx.msk [tilespmem:v47+s29+$0x0], $0xffff;
	v55 =	vmul.f32 $8.000000000e+00, v5  }
0x350: {  	v58 =	vld.idx.msk [tilespmem:v49+s29+$0x0], $0xffff;
	[tilespmem:s0+$0xFFFFFE60] =	vst v0;
	v57 =	vmul.f32 $8.000000000e+00, v11  }
0x351: {  	v59 =	vmul.f32 $8.000000000e+00, v8;
	v60 =	vld.idx.msk [tilespmem:v50+s29+$0x0], $0xffff;
	[tilespmem:s0+$0x1F0] =	vst v55  }
0x352: {  	v1 =	vmul.f32 $8.000000000e+00, v52;
	[tilespmem:s0+$0x70] =	vst v57  }
0x353: {  	v61 =	vmul.f32 $8.000000000e+00, v54;
	[tilespmem:s0+$0xFFFFFF70] =	vst v59  }
.Ltmp7:
0x354: {  	v62 =	vmul.f32 $8.000000000e+00, v56;
	[tilespmem:s0+$0xFFFFFEF0] =	vst v1;
	(pc) =	sbr.rel @p1 .LBB2_10-.Ltmp7, $4  }
0x355: {  	v0 =	vmul.f32 $8.000000000e+00, v58;
	[tilespmem:s0+$0x170] =	vst v61  }
0x356: {  	[tilespmem:s0+$0xF0] =	vst v62;
	v63 =	vmul.f32 $8.000000000e+00, v60  }
0x357: {  	[tilespmem:s0+$0xFFFFFFF0] =	vst v0  }
0x358: {  	[tilespmem:s0+$0xFFFFFE70] =	vst v63  }
0x359: {  	s0 =	sshrl.u32 s26, $0x2;
	v2 =	vld [tilespmem:$0x1FF50]  }
0x35a: {  	v0 =	vld [tilespmem:s0+$0x180]  }
0x35b: {  	v3 =	vld [tilespmem:$0x1FF60]  }
0x35c: {  	v4 =	vld [tilespmem:$0x1FF70];
	_ =	sdelay $0x2  }
0x35d: {  	v1 =	vperm.xlane v0, v2;
	_ =	sdelay $0x1  }
0x35e: {  	v0 =	vperm.xlane v0, v4;
	v1 =	vadd.s32 v3, v1;
	_ =	sdelay $0x1  }
0x35f: {  	v0 =	vadd.s32 v3, v0;
	_ =	sdelay $0x2  }
0x360: {  	[tilespmem:s29], [sflag:$0x2] =	stream.indirect_vreg.gather [hbm4b:s5+s2], $0x80, v1, vm0, $0xb8;
	[tilespmem:$0x1A400] =	vst v63  }
0x361: {  	s3 =	simm.s32 $0xEC00  }
0x362: {  	[tilespmem:s3], [sflag:$0x2] =	stream.indirect_vreg.gather [hbm4b:s5+s2], $0x80, v0, vm0, $0xb8;
	[tilespmem:$0x1A400] =	vst v63  }
0x363: {  	v0 =	vld [tilespmem:s0+$0x190];
	_ =	sdelay $0x4  }
0x364: {  	v57 =	vperm.xlane v0, v2;
	_ =	sdelay $0x1  }
0x365: {  	v0 =	vperm.xlane v0, v4;
	v1 =	vadd.s32 v3, v57;
	_ =	sdelay $0x1  }
0x366: {  	v0 =	vadd.s32 v3, v0;
	_ =	sdelay $0x1  }
0x367: {  	s26 =	simm.s32 $0xF400  }
0x368: {  	[tilespmem:s26], [sflag:$0x2] =	stream.indirect_vreg.gather [hbm4b:s5+s2], $0x80, v1, vm0, $0xb8;
	[tilespmem:$0x1A400] =	vst v63  }
0x369: {  	s30 =	simm.s32 $0xFC00  }
0x36a: {  	[tilespmem:s30], [sflag:$0x2] =	stream.indirect_vreg.gather [hbm4b:s5+s2], $0x80, v0, vm0, $0xb8;
	[tilespmem:$0x1A400] =	vst v63  }
0x36b: {  	v0 =	vld [tilespmem:s0+$0x1A0];
	_ =	sdelay $0x4  }
0x36c: {  	v58 =	vperm.xlane v0, v2;
	_ =	sdelay $0x1  }
0x36d: {  	v0 =	vperm.xlane v0, v4;
	v1 =	vadd.s32 v3, v58;
	_ =	sdelay $0x1  }
0x36e: {  	v0 =	vadd.s32 v3, v0;
	_ =	sdelay $0x1  }
0x36f: {  	s31 =	simm.s32 $0x10400  }
0x370: {  	[tilespmem:s31], [sflag:$0x2] =	stream.indirect_vreg.gather [hbm4b:s5+s2], $0x80, v1, vm0, $0xb8;
	[tilespmem:$0x1A400] =	vst v63  }
0x371: {  	_ = 	snop  }
0x372: {  	[tilespmem:s6], [sflag:$0x2] =	stream.indirect_vreg.gather [hbm4b:s5+s2], $0x80, v0, vm0, $0xb8;
	[tilespmem:$0x1A400] =	vst v63  }
0x373: {  	v0 =	vld [tilespmem:s0+$0x1B0];
	_ =	sdelay $0x4  }
0x374: {  	v59 =	vperm.xlane v0, v2;
	_ =	sdelay $0x1  }
0x375: {  	v0 =	vperm.xlane v0, v4;
	v1 =	vadd.s32 v3, v59;
	_ =	sdelay $0x1  }
0x376: {  	v0 =	vadd.s32 v3, v0;
	_ =	sdelay $0x2  }
0x377: {  	[tilespmem:s8], [sflag:$0x2] =	stream.indirect_vreg.gather [hbm4b:s5+s2], $0x80, v1, vm0, $0xb8;
	[tilespmem:$0x1A400] =	vst v63  }
0x378: {  	_ = 	snop  }
0x379: {  	[tilespmem:s11], [sflag:$0x2] =	stream.indirect_vreg.gather [hbm4b:s5+s2], $0x80, v0, vm0, $0xb8;
	[tilespmem:$0x1A400] =	vst v63  }
0x37a: {  	v0 =	vld [tilespmem:s0+$0x1C0];
	_ =	sdelay $0x4  }
0x37b: {  	v60 =	vperm.xlane v0, v2;
	_ =	sdelay $0x1  }
0x37c: {  	v0 =	vperm.xlane v0, v4;
	v1 =	vadd.s32 v3, v60;
	_ =	sdelay $0x1  }
0x37d: {  	v0 =	vadd.s32 v3, v0;
	_ =	sdelay $0x2  }
0x37e: {  	[tilespmem:s13], [sflag:$0x2] =	stream.indirect_vreg.gather [hbm4b:s5+s2], $0x80, v1, vm0, $0xb8;
	[tilespmem:$0x1A400] =	vst v63  }
0x37f: {  	_ = 	snop  }
0x380: {  	[tilespmem:s14], [sflag:$0x2] =	stream.indirect_vreg.gather [hbm4b:s5+s2], $0x80, v0, vm0, $0xb8;
	[tilespmem:$0x1A400] =	vst v63  }
0x381: {  	v0 =	vld [tilespmem:s0+$0x1D0];
	_ =	sdelay $0x4  }
0x382: {  	v61 =	vperm.xlane v0, v2;
	_ =	sdelay $0x1  }
0x383: {  	v0 =	vperm.xlane v0, v4;
	v1 =	vadd.s32 v3, v61;
	_ =	sdelay $0x1  }
0x384: {  	v0 =	vadd.s32 v3, v0;
	_ =	sdelay $0x2  }
0x385: {  	[tilespmem:s15], [sflag:$0x2] =	stream.indirect_vreg.gather [hbm4b:s5+s2], $0x80, v1, vm0, $0xb8;
	[tilespmem:$0x1A400] =	vst v63  }
0x386: {  	_ = 	snop  }
0x387: {  	[tilespmem:s16], [sflag:$0x2] =	stream.indirect_vreg.gather [hbm4b:s5+s2], $0x80, v0, vm0, $0xb8;
	[tilespmem:$0x1A400] =	vst v63  }
0x388: {  	v0 =	vld [tilespmem:s0+$0x1E0];
	_ =	sdelay $0x4  }
0x389: {  	v62 =	vperm.xlane v0, v2;
	_ =	sdelay $0x1  }
0x38a: {  	v0 =	vperm.xlane v0, v4;
	v1 =	vadd.s32 v3, v62;
	_ =	sdelay $0x1  }
0x38b: {  	v0 =	vadd.s32 v3, v0;
	_ =	sdelay $0x2  }
0x38c: {  	[tilespmem:s17], [sflag:$0x2] =	stream.indirect_vreg.gather [hbm4b:s5+s2], $0x80, v1, vm0, $0xb8;
	[tilespmem:$0x1A400] =	vst v63  }
0x38d: {  	_ = 	snop  }
0x38e: {  	[tilespmem:s18], [sflag:$0x2] =	stream.indirect_vreg.gather [hbm4b:s5+s2], $0x80, v0, vm0, $0xb8;
	[tilespmem:$0x1A400] =	vst v63  }
0x38f: {  	v0 =	vld [tilespmem:s0+$0x1F0];
	_ =	sdelay $0x4  }
0x390: {  	v63 =	vperm.xlane v0, v2;
	_ =	sdelay $0x1  }
0x391: {  	v0 =	vperm.xlane v0, v4;
	v1 =	vadd.s32 v3, v63;
	_ =	sdelay $0x1  }
0x392: {  	v0 =	vadd.s32 v3, v0  }
.Ltmp8:
0x393: {  	_ = 	snop;
	(pc) =	sbr.rel .LBB2_10-.Ltmp8, $4  }
0x394: {  	_ = 	snop  }
0x395: {  	[tilespmem:s19], [sflag:$0x2] =	stream.indirect_vreg.gather [hbm4b:s5+s2], $0x80, v1, vm0, $0xb8;
	[tilespmem:$0x1A400] =	vst v63  }
0x396: {  	_ = 	snop  }
0x397: {  	[tilespmem:s20], [sflag:$0x2] =	stream.indirect_vreg.gather [hbm4b:s5+s2], $0x80, v0, vm0, $0xb8;
	[tilespmem:$0x1A400] =	vst v63  }
.LBB2_12:
0x398: {  	_ =	sfence.sel $0x180000  }
0x399: {  	[bflag:$0x0] =	sbarrier.arrive $0xFFFF  }
0x39a: {  	_ =	strace $0x90000047  }
0x39b: {  	s0 =	stileid.u32;
	[bflag:$0x2] =	sbarrier.arrive $0xFFFF  }
0x39c: {  	p0 =	sne.s32 s0, $0x0;
	s0 =	rddreg [dreg:$0x3]  }
0x39d: {  	s0 =	sadd.s32 @!p0 $0x100000, s0  }
0x39e: {  	[sflag:s0] =	ssyncadd.tile.s32 @!p0 $0x1;
	_ =	shalt  }
.Lfunc_end2:
_tile_overlayer_lowered:
.L_overlay_start_2:
0x39f: {  	(tag) =	ssettag $0x2  }
0x3a0: {  	s0 =	rddreg [dreg:$0x0];
	s2 =	stileid.u32  }
0x3a1: {  	s1 =	rddreg [dreg:$0x1];
	p0 =	sne.s32 s2, $0x0  }
0x3a2: {  	s3 =	rddreg [dreg:$0x2];
	[bflag:$0x3] =	sbarrier.arrive $0xFFFF;
	s2 =	simm.s32 @!p0 $0x1C05  }
0x3a3: {  	[timem:s3], [sflag:s2] =	dma.local @!p0 [hbm:s0], s1  }
0x3a4: {  	s0 =	simm.s32 @!p0 $0x5  }
0x3a5: {  	_ =	swait.ge @!p0 [sflag:s0], s1  }
0x3a6: {  	s1 =	ssub.s32 @!p0 $0x0, s1;
	[sflag:s0] =	ssyncset.done @!p0 $0x0  }
0x3a7: {  	[sflag:s0] =	ssyncadd.s32 @!p0 s1  }
0x3a8: {  	[bflag:$0x3] =	sbarrier.arrive $0xFFFF  }
0x3a9: {  	_ =	shalt  }

</sc_bundles>
